<compile_context>
chip_gen: v7x
topology: tpu7x:2x2x1
jax: 0.10.2.dev20260603
libtpu: 0.0.44.dev20260713+nightly
codegen_flags: <defaults>
</compile_context>

<pallas_src>
import functools

import jax
import jax.numpy as jnp
from jax import lax
from jax.experimental import pallas as pl
from jax.experimental.pallas import tpu as pltpu
from jax.experimental.pallas import tpu_sc as plsc

H = 1024
DFF = 512
E = 8
K = 2
SCALE = 2.5
T = 2048
B = 512
NBR = 16
PR = NBR * B


BT = 256


def _router_body(x_ref, gw_ref, w_ref, i_ref, p_ref, c_ref, carry):
    b = pl.program_id(0)

    @pl.when(b == 0)
    def _():
        carry[...] = jnp.zeros_like(carry)

    x = x_ref[...]
    logits = lax.dot_general(x, gw_ref[...], (((1,), (1,)), ((), ())),
                             preferred_element_type=jnp.float32)
    v = jax.nn.sigmoid(logits)
    lane = lax.broadcasted_iota(jnp.int32, v.shape, 1)
    m1 = jnp.max(v, axis=1, keepdims=True)
    i1 = jnp.min(jnp.where(v == m1, lane, E), axis=1, keepdims=True)
    vm = jnp.where(lane == i1, -jnp.inf, v)
    m2 = jnp.max(vm, axis=1, keepdims=True)
    i2 = jnp.min(jnp.where(vm == m2, lane, E), axis=1, keepdims=True)
    s = m1 + m2 + 1e-6
    w_ref[...] = jnp.concatenate([m1 / s, m2 / s], axis=1) * SCALE
    i_ref[...] = jnp.concatenate([i1, i2], axis=1)

    a0 = (lane == i1).astype(jnp.float32)
    a1 = (lane == i2).astype(jnp.float32)
    sm = a0 + a1
    r = lax.broadcasted_iota(jnp.int32, (BT, BT), 0)
    c = lax.broadcasted_iota(jnp.int32, (BT, BT), 1)
    tri = (c < r).astype(jnp.float32)
    pfx = lax.dot_general(tri, sm, (((1,), (0,)), ((), ())),
                          preferred_element_type=jnp.float32) + carry[...]
    pos0 = jnp.sum(pfx * a0, axis=1, keepdims=True)
    pos1 = jnp.sum(pfx * a1, axis=1, keepdims=True)
    p_ref[...] = jnp.concatenate([pos0, pos1], axis=1).astype(jnp.int32)
    carry[...] = carry[...] + jnp.sum(sm, axis=0, keepdims=True)
    c_ref[...] = carry[...].astype(jnp.int32)


def _router(x, gate_w):
    return pl.pallas_call(
        _router_body,
        grid=(T // BT,),
        in_specs=[pl.BlockSpec((BT, H), lambda b: (b, 0)),
                  pl.BlockSpec((E, H), lambda b: (0, 0))],
        out_specs=(pl.BlockSpec((BT, K), lambda b: (b, 0)),
                   pl.BlockSpec((BT, K), lambda b: (b, 0)),
                   pl.BlockSpec((BT, K), lambda b: (b, 0)),
                   pl.BlockSpec((1, E), lambda b: (0, 0))),
        out_shape=(jax.ShapeDtypeStruct((T, K), jnp.float32),
                   jax.ShapeDtypeStruct((T, K), jnp.int32),
                   jax.ShapeDtypeStruct((T, K), jnp.int32),
                   jax.ShapeDtypeStruct((1, E), jnp.int32)),
        scratch_shapes=[pltpu.VMEM((1, E), jnp.float32)],
    )(x, gate_w)


def _make_sc_dispatch():
    info = plsc.get_sparse_core_info()
    nw = info.num_cores * info.num_subcores
    nt = T // nw
    mesh = plsc.VectorSubcoreMesh(core_axis_name="c", subcore_axis_name="s")

    @functools.partial(
        pl.kernel, mesh=mesh, name="sc_dispatch_scatter",
        out_type=jax.ShapeDtypeStruct((PR, H), jnp.float32),
        scratch_types=[
            pltpu.VMEM((nt, H), jnp.float32),
            pltpu.VMEM((nt,), jnp.int32),
            pltpu.VMEM((nt,), jnp.int32),
            pltpu.SemaphoreType.DMA,
        ],
    )
    def dispatch_kernel(x_hbm, d0_hbm, d1_hbm, out_hbm, xv, i0v, i1v, sem):
        wid = lax.axis_index("s") * info.num_cores + lax.axis_index("c")
        base = wid * nt
        pltpu.sync_copy(x_hbm.at[pl.ds(base, nt)], xv)
        pltpu.sync_copy(d0_hbm.at[pl.ds(base, nt)], i0v)
        pltpu.sync_copy(d1_hbm.at[pl.ds(base, nt)], i1v)
        c0 = pltpu.async_copy(xv, out_hbm.at[i0v], sem)
        c1 = pltpu.async_copy(xv, out_hbm.at[i1v], sem)
        c0.wait()
        c1.wait()

    return dispatch_kernel


def _make_sc_gather(n_rows, n_chunks, name, dtype=jnp.float32):
    info = plsc.get_sparse_core_info()
    nw = info.num_cores * info.num_subcores
    n_w = n_rows // nw
    chunk = n_w // n_chunks
    mesh = plsc.VectorSubcoreMesh(core_axis_name="c", subcore_axis_name="s")

    @functools.partial(
        pl.kernel, mesh=mesh, name=name,
        out_type=jax.ShapeDtypeStruct((n_rows, H), dtype),
        scratch_types=[
            pltpu.VMEM((n_w,), jnp.int32),
            pltpu.VMEM((chunk, H), dtype),
            pltpu.VMEM((chunk, H), dtype),
            pltpu.SemaphoreType.DMA,
            pltpu.SemaphoreType.DMA,
        ],
    )
    def gather_kernel(src_hbm, idx_hbm, out_hbm, idx_v, rows0, rows1, s0, s1):
        wid = lax.axis_index("s") * info.num_cores + lax.axis_index("c")
        base = wid * n_w
        bufs, sems = (rows0, rows1), (s0, s1)
        pltpu.sync_copy(idx_hbm.at[pl.ds(base, n_w)], idx_v)

        def start(c):
            return pltpu.async_copy(
                src_hbm.at[idx_v.at[pl.ds(c * chunk, chunk)]],
                bufs[c % 2], sems[c % 2])

        cps = [None] * n_chunks
        cps[0] = start(0)
        if n_chunks > 1:
            cps[1] = start(1)
        for c in range(n_chunks):
            cps[c].wait()
            pltpu.sync_copy(bufs[c % 2],
                            out_hbm.at[pl.ds(base + c * chunk, chunk)])
            if c + 2 < n_chunks:
                cps[c + 2] = start(c + 2)

    return gather_kernel


NBS = NBR + T // B


def _mlp_compute(xb, gw16, uw16, dw16, y_ref):
    g = lax.dot_general(xb, gw16[...], (((1,), (1,)), ((), ())),
                        preferred_element_type=jnp.float32)
    u = lax.dot_general(xb, uw16[...], (((1,), (1,)), ((), ())),
                        preferred_element_type=jnp.float32)
    h = (jax.nn.silu(g) * u).astype(jnp.bfloat16)
    y_ref[...] = lax.dot_general(h, dw16[...], (((1,), (1,)), ((), ())),
                                 preferred_element_type=jnp.float32)


def _gmm(meta, xg, x, gw, uw, dw, sgw, suw, sdw):
    grid_spec = pltpu.PrefetchScalarGridSpec(
        num_scalar_prefetch=1,
        grid=(NBS + 1,),
        in_specs=[
            pl.BlockSpec(
                (B, H),
                lambda s, m: (jnp.clip(s - 1, 0, NBR - 1), 0)),
            pl.BlockSpec(
                (B, H),
                lambda s, m: (jnp.maximum(s - 1 - NBR, 0), 0)),
            pl.BlockSpec((1, DFF, H), lambda s, m: (m[3, s], 0, 0)),
            pl.BlockSpec((1, DFF, H), lambda s, m: (m[3, s], 0, 0)),
            pl.BlockSpec((1, H, DFF), lambda s, m: (m[3, s], 0, 0)),
            pl.BlockSpec((1, DFF, H), lambda s, m: (0, 0, 0)),
            pl.BlockSpec((1, DFF, H), lambda s, m: (0, 0, 0)),
            pl.BlockSpec((1, H, DFF), lambda s, m: (0, 0, 0)),
        ],
        out_specs=pl.BlockSpec((B, H), lambda s, m: (jnp.maximum(s - 1, 0), 0)),
        scratch_shapes=[
            pltpu.VMEM((DFF, H), jnp.bfloat16),
            pltpu.VMEM((DFF, H), jnp.bfloat16),
            pltpu.VMEM((H, DFF), jnp.bfloat16),
            pltpu.VMEM((DFF, H), jnp.bfloat16),
            pltpu.VMEM((DFF, H), jnp.bfloat16),
            pltpu.VMEM((H, DFF), jnp.bfloat16),
            pltpu.VMEM((B, H), jnp.bfloat16),
        ],
    )

    def body(m_ref, xg_ref, x_ref, gw_ref, uw_ref, dw_ref,
             sgw_ref, suw_ref, sdw_ref, y_ref,
             g0, u0, d0, g1, u1, d1, xb16):
        s = pl.program_id(0)
        e = m_ref[0, s]
        ce = m_ref[1, s]
        us = m_ref[2, s]
        cs = m_ref[4, s]

        @pl.when((ce >= 0) & (ce < E) & (cs == 0))
        def _c0():
            g0[...] = gw_ref[0].astype(jnp.bfloat16)
            u0[...] = uw_ref[0].astype(jnp.bfloat16)
            d0[...] = dw_ref[0].astype(jnp.bfloat16)

        @pl.when((ce >= 0) & (ce < E) & (cs == 1))
        def _c1():
            g1[...] = gw_ref[0].astype(jnp.bfloat16)
            u1[...] = uw_ref[0].astype(jnp.bfloat16)
            d1[...] = dw_ref[0].astype(jnp.bfloat16)

        @pl.when((ce == E) & (cs == 0))
        def _cs0():
            g0[...] = sgw_ref[0].astype(jnp.bfloat16)
            u0[...] = suw_ref[0].astype(jnp.bfloat16)
            d0[...] = sdw_ref[0].astype(jnp.bfloat16)

        @pl.when((ce == E) & (cs == 1))
        def _cs1():
            g1[...] = sgw_ref[0].astype(jnp.bfloat16)
            u1[...] = suw_ref[0].astype(jnp.bfloat16)
            d1[...] = sdw_ref[0].astype(jnp.bfloat16)

        @pl.when((e >= 0) & (e < E))
        def _ld_routed():
            xb16[...] = xg_ref[...].astype(jnp.bfloat16)

        @pl.when(e == E)
        def _ld_shared():
            xb16[...] = x_ref[...].astype(jnp.bfloat16)

        @pl.when((e >= 0) & (us == 0))
        def _mlp0():
            _mlp_compute(xb16[...], g0, u0, d0, y_ref)

        @pl.when((e >= 0) & (us == 1))
        def _mlp1():
            _mlp_compute(xb16[...], g1, u1, d1, y_ref)

    return pl.pallas_call(
        body,
        grid_spec=grid_spec,
        out_shape=jax.ShapeDtypeStruct((PR + T, H), jnp.float32),
    )(meta, xg, x, gw, uw, dw, sgw, suw, sdw)


def _combine_body(g0_ref, g1_ref, sh_ref, w_ref, o_ref):
    w = w_ref[...]
    o_ref[...] = (w[:, 0:1] * g0_ref[...].astype(jnp.float32)
                  + w[:, 1:2] * g1_ref[...].astype(jnp.float32)
                  + sh_ref[...])


def _combine(g, yg, topk_w):
    bt = 256
    return pl.pallas_call(
        _combine_body,
        grid=(T // bt,),
        in_specs=[pl.BlockSpec((bt, H), lambda i: (i, 0)),
                  pl.BlockSpec((bt, H), lambda i: (i + T // bt, 0)),
                  pl.BlockSpec((bt, H), lambda i: (i + PR // bt, 0)),
                  pl.BlockSpec((bt, K), lambda i: (i, 0))],
        out_specs=pl.BlockSpec((bt, H), lambda i: (i, 0)),
        out_shape=jax.ShapeDtypeStruct((T, H), jnp.float32),
    )(g, g, yg, topk_w)


def kernel(hidden_states, gate_w, shared_gate_w, shared_up_w, shared_down_w,
           expert_gate_w, expert_up_w, expert_down_w):
    orig_shape = hidden_states.shape
    x = hidden_states.reshape(-1, H)

    topk_w, topk_i, pos, counts2d = _router(x, gate_w)

    flat_e = topk_i.reshape(-1)
    counts = counts2d[0]
    pad_counts = ((counts + B - 1) // B) * B
    pad_off = jnp.concatenate([jnp.zeros((1,), jnp.int32),
                               jnp.cumsum(pad_counts)]).astype(jnp.int32)
    dest = pad_off[flat_e] + pos.reshape(-1)

    b_start = jnp.arange(NBR, dtype=jnp.int32) * B
    block_expert = jnp.where(
        b_start < pad_off[E],
        jnp.minimum(
            jnp.sum((b_start[:, None] >= pad_off[None, 1:E + 1])
                    .astype(jnp.int32), axis=1), E - 1),
        -1)
    block_expert = jnp.concatenate(
        [block_expert, jnp.full((T // B,), E, jnp.int32)])

    d_cols = dest.reshape(T, K)
    xg = _make_sc_dispatch()(x, d_cols[:, 0], d_cols[:, 1])

    comp_e = jnp.concatenate([jnp.full((1,), -9, jnp.int32), block_expert])
    nxt = jnp.concatenate([comp_e[1:], jnp.full((1,), -1, jnp.int32)])
    cast_e = jnp.where((nxt != comp_e) & (nxt >= 0), nxt, -1)
    ev = jnp.cumsum((cast_e >= 0).astype(jnp.int32))
    cast_set = ev % 2
    use_set = jnp.concatenate([jnp.zeros((1,), jnp.int32), ev[:-1] % 2])
    windex = jnp.clip(
        lax.cummax(jnp.where(cast_e >= 0, cast_e, -1), axis=0), 0, E - 1)
    meta = jnp.stack([comp_e, cast_e, use_set, windex, cast_set])
    yg = _gmm(meta, xg, x,
              expert_gate_w, expert_up_w, expert_down_w,
              shared_gate_w[None], shared_up_w[None], shared_down_w[None])

    d_planar = dest.reshape(T, K).T.reshape(-1)
    g = _make_sc_gather(T * K, 4, "sc_gather_combine")(yg, d_planar)

    out = _combine(g, yg, topk_w)
    return out.reshape(orig_shape)

# --- scband reference (transcript-rebuilt; emitter-appended) ---
"""Pipeline reference for scband-deepseek-v3-mo-e-79482664780464 (READ-ONLY COPY).

The authoritative reference and input builder live on the scoring server;
editing this copy changes nothing except your own understanding.
"""

import jax, jax.numpy as jnp
import numpy as np

H = 1024
DFF = 512
E = 8
K = 2
SH_DFF = 512  # moe_intermediate_size * n_shared_experts
SCALE = 2.5
NORM_TOPK = True


def setup_inputs(seed: int = 0) -> dict:
    key = jax.random.key(seed)
    ks = jax.random.split(key, 8)
    hidden_states = jax.random.normal(ks[0], (1, 2048, H), dtype=jnp.float32)
    gate_w = jax.random.normal(ks[1], (E, H), dtype=jnp.float32) * 0.02
    shared_gate_w = jax.random.normal(ks[2], (SH_DFF, H), dtype=jnp.float32) * 0.02
    shared_up_w = jax.random.normal(ks[3], (SH_DFF, H), dtype=jnp.float32) * 0.02
    shared_down_w = jax.random.normal(ks[4], (H, SH_DFF), dtype=jnp.float32) * 0.02
    expert_gate_w = jax.random.normal(ks[5], (E, DFF, H), dtype=jnp.float32) * 0.02
    expert_up_w = jax.random.normal(ks[6], (E, DFF, H), dtype=jnp.float32) * 0.02
    expert_down_w = jax.random.normal(ks[7], (E, H, DFF), dtype=jnp.float32) * 0.02
    return {
        'hidden_states': hidden_states,
        'gate_w': gate_w,
        'shared_gate_w': shared_gate_w,
        'shared_up_w': shared_up_w,
        'shared_down_w': shared_down_w,
        'expert_gate_w': expert_gate_w,
        'expert_up_w': expert_up_w,
        'expert_down_w': expert_down_w,
    }


def _mlp(x, gw, uw, dw):
    # DeepseekV3MLP: down(silu(gate(x)) * up(x)), Linear weights are [out, in]
    return (jax.nn.silu(x @ gw.T) * (x @ uw.T)) @ dw.T


def reference(hidden_states, gate_w, shared_gate_w, shared_up_w, shared_down_w,
              expert_gate_w, expert_up_w, expert_down_w):
    orig_shape = hidden_states.shape
    x = hidden_states.reshape(-1, H)
    # shared expert
    final = _mlp(x, shared_gate_w, shared_up_w, shared_down_w)
    # router
    router_logits = x @ gate_w.T
    routing_weights = jax.nn.sigmoid(router_logits)
    topk_w, topk_i = jax.lax.top_k(routing_weights, K)
    if NORM_TOPK:
        topk_w = topk_w / (topk_w.sum(axis=-1, keepdims=True) + 1e-06)
    topk_w = topk_w * SCALE
    routed = jnp.zeros_like(x)
    for e in range(E):
        mask = (topk_i == e).astype(x.dtype)
        relevant_weights = (topk_w * mask).sum(axis=-1)
        expert_out = _mlp(x, expert_gate_w[e], expert_up_w[e], expert_down_w[e])
        # tokens not routed to expert e have relevant_weights == 0, so dense
        # computation is mathematically identical to the masked gather/scatter
        routed = routed + expert_out * relevant_weights[:, None]
    out = final + routed
    return out.reshape(orig_shape)

if __name__ == "__main__":
    import jax
    _d = setup_inputs()
    print(jax.jit(kernel)(*tuple(_d.values())))

</pallas_src>

<mosaic_0001>
#map = affine_map<(d0, d1) -> (0, 0)>
#map1 = affine_map<(d0, d1) -> (0)>
module attributes {stable_mosaic.version = 14 : i64} {
  func.func @sc_dispatch_scatter(%arg0: i32, %arg1: i32, %arg2: memref<2048x1024xf32, #tpu.memory_space<hbm>>, %arg3: memref<2048xi32, #tpu.memory_space<hbm>>, %arg4: memref<2048xi32, #tpu.memory_space<hbm>>, %arg5: memref<8192x1024xf32, #tpu.memory_space<hbm>>, %arg6: memref<64x1024xf32, #tpu.memory_space<vmem>>, %arg7: memref<64xi32, #tpu.memory_space<vmem>>, %arg8: memref<64xi32, #tpu.memory_space<vmem>>, %arg9: memref<!tpu.dma_semaphore, #tpu.memory_space<semaphore_mem>>) attributes {dimension_semantics = [#tpu.dimension_semantics<core_parallel>, #tpu.dimension_semantics<subcore_parallel>], iteration_bounds = array<i64: 2, 16>, scalar_prefetch = 0 : i64, scratch_operands = 4 : i64, tpu.core_type = #tpu.core_type<sc_vector_subcore>, window_params = [{transform_indices = #map}, {transform_indices = #map1}, {transform_indices = #map1}, {transform_indices = #map}]} {
    %mul3A = arith.constant 2 : i32
    %mul3A_0 = arith.muli %arg1, %mul3A : i32
    %add3A = arith.addi %mul3A_0, %arg0 : i32
    %mul3A_1 = arith.constant 64 : i32
    %mul3A_2 = arith.muli %add3A, %mul3A_1 : i32
    "tpu.region"() ({
      %run_scoped3A = tpu.sem_alloc : memref<!tpu.dma_semaphore, #tpu.memory_space<semaphore_mem>>
      %dma_start3A_13 = arith.constant 0 : i32
      %dma_start3A_14 = tpu.memref_slice %arg2[%mul3A_2, %dma_start3A_13] : memref<2048x1024xf32, #tpu.memory_space<hbm>> -> memref<64x1024xf32, #tpu.memory_space<hbm>>
      %dma_start3A_15 = arith.constant 0 : i32
      %dma_start3A_16 = tpu.memref_slice %arg2[%mul3A_2, %dma_start3A_15] : memref<2048x1024xf32, #tpu.memory_space<hbm>> -> memref<64x1024xf32, #tpu.memory_space<hbm>>
      tpu.enqueue_dma source(%dma_start3A_16 : memref<64x1024xf32, #tpu.memory_space<hbm>>) target(%arg6 : memref<64x1024xf32, #tpu.memory_space<vmem>>) target_semaphore(%run_scoped3A : memref<!tpu.dma_semaphore, #tpu.memory_space<semaphore_mem>>)
      %dma_wait3A_17 = arith.constant 0 : i32
      %dma_wait3A_18 = tpu.memref_slice %arg2[%mul3A_2, %dma_wait3A_17] : memref<2048x1024xf32, #tpu.memory_space<hbm>> -> memref<64x1024xf32, #tpu.memory_space<hbm>>
      %dma_wait3A_19 = arith.constant 0 : i32
      %dma_wait3A_20 = tpu.memref_slice %arg2[%mul3A_2, %dma_wait3A_19] : memref<2048x1024xf32, #tpu.memory_space<hbm>> -> memref<64x1024xf32, #tpu.memory_space<hbm>>
      tpu.wait_dma2 semaphore(%run_scoped3A : memref<!tpu.dma_semaphore, #tpu.memory_space<semaphore_mem>>) src(%dma_wait3A_20 : memref<64x1024xf32, #tpu.memory_space<hbm>>) dst(%arg6 : memref<64x1024xf32, #tpu.memory_space<vmem>>)
      tpu.yield
    }) : () -> ()
    "tpu.region"() ({
      %run_scoped3A = tpu.sem_alloc : memref<!tpu.dma_semaphore, #tpu.memory_space<semaphore_mem>>
      %dma_start3A_13 = tpu.memref_slice %arg3[%mul3A_2] : memref<2048xi32, #tpu.memory_space<hbm>> -> memref<64xi32, #tpu.memory_space<hbm>>
      %dma_start3A_14 = tpu.memref_slice %arg3[%mul3A_2] : memref<2048xi32, #tpu.memory_space<hbm>> -> memref<64xi32, #tpu.memory_space<hbm>>
      tpu.enqueue_dma source(%dma_start3A_14 : memref<64xi32, #tpu.memory_space<hbm>>) target(%arg7 : memref<64xi32, #tpu.memory_space<vmem>>) target_semaphore(%run_scoped3A : memref<!tpu.dma_semaphore, #tpu.memory_space<semaphore_mem>>)
      %dma_wait3A_15 = tpu.memref_slice %arg3[%mul3A_2] : memref<2048xi32, #tpu.memory_space<hbm>> -> memref<64xi32, #tpu.memory_space<hbm>>
      %dma_wait3A_16 = tpu.memref_slice %arg3[%mul3A_2] : memref<2048xi32, #tpu.memory_space<hbm>> -> memref<64xi32, #tpu.memory_space<hbm>>
      tpu.wait_dma2 semaphore(%run_scoped3A : memref<!tpu.dma_semaphore, #tpu.memory_space<semaphore_mem>>) src(%dma_wait3A_16 : memref<64xi32, #tpu.memory_space<hbm>>) dst(%arg7 : memref<64xi32, #tpu.memory_space<vmem>>)
      tpu.yield
    }) : () -> ()
    "tpu.region"() ({
      %run_scoped3A = tpu.sem_alloc : memref<!tpu.dma_semaphore, #tpu.memory_space<semaphore_mem>>
      %dma_start3A_13 = tpu.memref_slice %arg4[%mul3A_2] : memref<2048xi32, #tpu.memory_space<hbm>> -> memref<64xi32, #tpu.memory_space<hbm>>
      %dma_start3A_14 = tpu.memref_slice %arg4[%mul3A_2] : memref<2048xi32, #tpu.memory_space<hbm>> -> memref<64xi32, #tpu.memory_space<hbm>>
      tpu.enqueue_dma source(%dma_start3A_14 : memref<64xi32, #tpu.memory_space<hbm>>) target(%arg8 : memref<64xi32, #tpu.memory_space<vmem>>) target_semaphore(%run_scoped3A : memref<!tpu.dma_semaphore, #tpu.memory_space<semaphore_mem>>)
      %dma_wait3A_15 = tpu.memref_slice %arg4[%mul3A_2] : memref<2048xi32, #tpu.memory_space<hbm>> -> memref<64xi32, #tpu.memory_space<hbm>>
      %dma_wait3A_16 = tpu.memref_slice %arg4[%mul3A_2] : memref<2048xi32, #tpu.memory_space<hbm>> -> memref<64xi32, #tpu.memory_space<hbm>>
      tpu.wait_dma2 semaphore(%run_scoped3A : memref<!tpu.dma_semaphore, #tpu.memory_space<semaphore_mem>>) src(%dma_wait3A_16 : memref<64xi32, #tpu.memory_space<hbm>>) dst(%arg8 : memref<64xi32, #tpu.memory_space<vmem>>)
      tpu.yield
    }) : () -> ()
    %dma_start3A = arith.constant 0 : i32
    %dma_start3A_3 = arith.constant 0 : i32
    %dma_start3A_4 = tpu.memref_slice %arg5[%dma_start3A, %dma_start3A_3] : memref<8192x1024xf32, #tpu.memory_space<hbm>> -> memref<8192x1024xf32, #tpu.memory_space<hbm>>
    tpu.enqueue_indirect_dma source(%arg6 : memref<64x1024xf32, #tpu.memory_space<vmem>>) target(%dma_start3A_4 : memref<8192x1024xf32, #tpu.memory_space<hbm>>) offsets(%arg7 : memref<64xi32, #tpu.memory_space<vmem>>) semaphore(%arg9 : memref<!tpu.dma_semaphore, #tpu.memory_space<semaphore_mem>>)
    %dma_start3A_5 = arith.constant 0 : i32
    %dma_start3A_6 = arith.constant 0 : i32
    %dma_start3A_7 = tpu.memref_slice %arg5[%dma_start3A_5, %dma_start3A_6] : memref<8192x1024xf32, #tpu.memory_space<hbm>> -> memref<8192x1024xf32, #tpu.memory_space<hbm>>
    tpu.enqueue_indirect_dma source(%arg6 : memref<64x1024xf32, #tpu.memory_space<vmem>>) target(%dma_start3A_7 : memref<8192x1024xf32, #tpu.memory_space<hbm>>) offsets(%arg8 : memref<64xi32, #tpu.memory_space<vmem>>) semaphore(%arg9 : memref<!tpu.dma_semaphore, #tpu.memory_space<semaphore_mem>>)
    %dma_wait3A = arith.constant 0 : i32
    %dma_wait3A_8 = arith.constant 0 : i32
    %dma_wait3A_9 = tpu.memref_slice %arg5[%dma_wait3A, %dma_wait3A_8] : memref<8192x1024xf32, #tpu.memory_space<hbm>> -> memref<8192x1024xf32, #tpu.memory_space<hbm>>
    tpu.wait_indirect_dma semaphore(%arg9 : memref<!tpu.dma_semaphore, #tpu.memory_space<semaphore_mem>>) src(%arg6 : memref<64x1024xf32, #tpu.memory_space<vmem>>) dst(%dma_wait3A_9 : memref<8192x1024xf32, #tpu.memory_space<hbm>>)
    %dma_wait3A_10 = arith.constant 0 : i32
    %dma_wait3A_11 = arith.constant 0 : i32
    %dma_wait3A_12 = tpu.memref_slice %arg5[%dma_wait3A_10, %dma_wait3A_11] : memref<8192x1024xf32, #tpu.memory_space<hbm>> -> memref<8192x1024xf32, #tpu.memory_space<hbm>>
    tpu.wait_indirect_dma semaphore(%arg9 : memref<!tpu.dma_semaphore, #tpu.memory_space<semaphore_mem>>) src(%arg6 : memref<64x1024xf32, #tpu.memory_space<vmem>>) dst(%dma_wait3A_12 : memref<8192x1024xf32, #tpu.memory_space<hbm>>)
    return
  }
}

#map = affine_map<(d0, d1) -> (0, 0)>
#map1 = affine_map<(d0, d1) -> (0)>
module attributes {stable_mosaic.version = 14 : i64} {
  func.func @sc_gather_combine(%arg0: i32, %arg1: i32, %arg2: memref<10240x1024xf32, #tpu.memory_space<hbm>>, %arg3: memref<4096xi32, #tpu.memory_space<hbm>>, %arg4: memref<4096x1024xf32, #tpu.memory_space<hbm>>, %arg5: memref<128xi32, #tpu.memory_space<vmem>>, %arg6: memref<32x1024xf32, #tpu.memory_space<vmem>>, %arg7: memref<32x1024xf32, #tpu.memory_space<vmem>>, %arg8: memref<!tpu.dma_semaphore, #tpu.memory_space<semaphore_mem>>, %arg9: memref<!tpu.dma_semaphore, #tpu.memory_space<semaphore_mem>>) attributes {dimension_semantics = [#tpu.dimension_semantics<core_parallel>, #tpu.dimension_semantics<subcore_parallel>], iteration_bounds = array<i64: 2, 16>, scalar_prefetch = 0 : i64, scratch_operands = 5 : i64, tpu.core_type = #tpu.core_type<sc_vector_subcore>, window_params = [{transform_indices = #map}, {transform_indices = #map1}, {transform_indices = #map}]} {
    %mul3A = arith.constant 2 : i32
    %mul3A_0 = arith.muli %arg1, %mul3A : i32
    %add3A = arith.addi %mul3A_0, %arg0 : i32
    %mul3A_1 = arith.constant 128 : i32
    %mul3A_2 = arith.muli %add3A, %mul3A_1 : i32
    "tpu.region"() ({
      %run_scoped3A = tpu.sem_alloc : memref<!tpu.dma_semaphore, #tpu.memory_space<semaphore_mem>>
      %dma_start3A_49 = tpu.memref_slice %arg3[%mul3A_2] : memref<4096xi32, #tpu.memory_space<hbm>> -> memref<128xi32, #tpu.memory_space<hbm>>
      %dma_start3A_50 = tpu.memref_slice %arg3[%mul3A_2] : memref<4096xi32, #tpu.memory_space<hbm>> -> memref<128xi32, #tpu.memory_space<hbm>>
      tpu.enqueue_dma source(%dma_start3A_50 : memref<128xi32, #tpu.memory_space<hbm>>) target(%arg5 : memref<128xi32, #tpu.memory_space<vmem>>) target_semaphore(%run_scoped3A : memref<!tpu.dma_semaphore, #tpu.memory_space<semaphore_mem>>)
      %dma_wait3A_51 = tpu.memref_slice %arg3[%mul3A_2] : memref<4096xi32, #tpu.memory_space<hbm>> -> memref<128xi32, #tpu.memory_space<hbm>>
      %dma_wait3A_52 = tpu.memref_slice %arg3[%mul3A_2] : memref<4096xi32, #tpu.memory_space<hbm>> -> memref<128xi32, #tpu.memory_space<hbm>>
      tpu.wait_dma2 semaphore(%run_scoped3A : memref<!tpu.dma_semaphore, #tpu.memory_space<semaphore_mem>>) src(%dma_wait3A_52 : memref<128xi32, #tpu.memory_space<hbm>>) dst(%arg5 : memref<128xi32, #tpu.memory_space<vmem>>)
      tpu.yield
    }) : () -> ()
    %dma_start3A = arith.constant 0 : i32
    %dma_start3A_3 = tpu.memref_slice %arg5[%dma_start3A] : memref<128xi32, #tpu.memory_space<vmem>> -> memref<32xi32, #tpu.memory_space<vmem>>
    %dma_start3A_4 = arith.constant 0 : i32
    %dma_start3A_5 = arith.constant 0 : i32
    %dma_start3A_6 = tpu.memref_slice %arg2[%dma_start3A_4, %dma_start3A_5] : memref<10240x1024xf32, #tpu.memory_space<hbm>> -> memref<10240x1024xf32, #tpu.memory_space<hbm>>
    tpu.enqueue_indirect_dma source(%dma_start3A_6 : memref<10240x1024xf32, #tpu.memory_space<hbm>>) target(%arg6 : memref<32x1024xf32, #tpu.memory_space<vmem>>) offsets(%dma_start3A_3 : memref<32xi32, #tpu.memory_space<vmem>>) semaphore(%arg8 : memref<!tpu.dma_semaphore, #tpu.memory_space<semaphore_mem>>)
    %dma_start3A_7 = arith.constant 32 : i32
    %dma_start3A_8 = tpu.memref_slice %arg5[%dma_start3A_7] : memref<128xi32, #tpu.memory_space<vmem>> -> memref<32xi32, #tpu.memory_space<vmem>>
    %dma_start3A_9 = arith.constant 0 : i32
    %dma_start3A_10 = arith.constant 0 : i32
    %dma_start3A_11 = tpu.memref_slice %arg2[%dma_start3A_9, %dma_start3A_10] : memref<10240x1024xf32, #tpu.memory_space<hbm>> -> memref<10240x1024xf32, #tpu.memory_space<hbm>>
    tpu.enqueue_indirect_dma source(%dma_start3A_11 : memref<10240x1024xf32, #tpu.memory_space<hbm>>) target(%arg7 : memref<32x1024xf32, #tpu.memory_space<vmem>>) offsets(%dma_start3A_8 : memref<32xi32, #tpu.memory_space<vmem>>) semaphore(%arg9 : memref<!tpu.dma_semaphore, #tpu.memory_space<semaphore_mem>>)
    %dma_wait3A = arith.constant 0 : i32
    %dma_wait3A_12 = tpu.memref_slice %arg5[%dma_wait3A] : memref<128xi32, #tpu.memory_space<vmem>> -> memref<32xi32, #tpu.memory_space<vmem>>
    %dma_wait3A_13 = arith.constant 0 : i32
    %dma_wait3A_14 = arith.constant 0 : i32
    %dma_wait3A_15 = tpu.memref_slice %arg2[%dma_wait3A_13, %dma_wait3A_14] : memref<10240x1024xf32, #tpu.memory_space<hbm>> -> memref<10240x1024xf32, #tpu.memory_space<hbm>>
    tpu.wait_indirect_dma semaphore(%arg8 : memref<!tpu.dma_semaphore, #tpu.memory_space<semaphore_mem>>) src(%dma_wait3A_15 : memref<10240x1024xf32, #tpu.memory_space<hbm>>) dst(%arg6 : memref<32x1024xf32, #tpu.memory_space<vmem>>)
    %add3A_16 = arith.constant 0 : i32
    %add3A_17 = arith.addi %mul3A_2, %add3A_16 : i32
    "tpu.region"() ({
      %run_scoped3A = tpu.sem_alloc : memref<!tpu.dma_semaphore, #tpu.memory_space<semaphore_mem>>
      %dma_start3A_49 = arith.constant 0 : i32
      %dma_start3A_50 = tpu.memref_slice %arg4[%add3A_17, %dma_start3A_49] : memref<4096x1024xf32, #tpu.memory_space<hbm>> -> memref<32x1024xf32, #tpu.memory_space<hbm>>
      %dma_start3A_51 = arith.constant 0 : i32
      %dma_start3A_52 = tpu.memref_slice %arg4[%add3A_17, %dma_start3A_51] : memref<4096x1024xf32, #tpu.memory_space<hbm>> -> memref<32x1024xf32, #tpu.memory_space<hbm>>
      tpu.enqueue_dma source(%arg6 : memref<32x1024xf32, #tpu.memory_space<vmem>>) target(%dma_start3A_52 : memref<32x1024xf32, #tpu.memory_space<hbm>>) target_semaphore(%run_scoped3A : memref<!tpu.dma_semaphore, #tpu.memory_space<semaphore_mem>>)
      %dma_wait3A_53 = arith.constant 0 : i32
      %dma_wait3A_54 = tpu.memref_slice %arg4[%add3A_17, %dma_wait3A_53] : memref<4096x1024xf32, #tpu.memory_space<hbm>> -> memref<32x1024xf32, #tpu.memory_space<hbm>>
      %dma_wait3A_55 = arith.constant 0 : i32
      %dma_wait3A_56 = tpu.memref_slice %arg4[%add3A_17, %dma_wait3A_55] : memref<4096x1024xf32, #tpu.memory_space<hbm>> -> memref<32x1024xf32, #tpu.memory_space<hbm>>
      tpu.wait_dma2 semaphore(%run_scoped3A : memref<!tpu.dma_semaphore, #tpu.memory_space<semaphore_mem>>) src(%arg6 : memref<32x1024xf32, #tpu.memory_space<vmem>>) dst(%dma_wait3A_56 : memref<32x1024xf32, #tpu.memory_space<hbm>>)
      tpu.yield
    }) : () -> ()
    %dma_start3A_18 = arith.constant 64 : i32
    %dma_start3A_19 = tpu.memref_slice %arg5[%dma_start3A_18] : memref<128xi32, #tpu.memory_space<vmem>> -> memref<32xi32, #tpu.memory_space<vmem>>
    %dma_start3A_20 = arith.constant 0 : i32
    %dma_start3A_21 = arith.constant 0 : i32
    %dma_start3A_22 = tpu.memref_slice %arg2[%dma_start3A_20, %dma_start3A_21] : memref<10240x1024xf32, #tpu.memory_space<hbm>> -> memref<10240x1024xf32, #tpu.memory_space<hbm>>
    tpu.enqueue_indirect_dma source(%dma_start3A_22 : memref<10240x1024xf32, #tpu.memory_space<hbm>>) target(%arg6 : memref<32x1024xf32, #tpu.memory_space<vmem>>) offsets(%dma_start3A_19 : memref<32xi32, #tpu.memory_space<vmem>>) semaphore(%arg8 : memref<!tpu.dma_semaphore, #tpu.memory_space<semaphore_mem>>)
    %dma_wait3A_23 = arith.constant 32 : i32
    %dma_wait3A_24 = tpu.memref_slice %arg5[%dma_wait3A_23] : memref<128xi32, #tpu.memory_space<vmem>> -> memref<32xi32, #tpu.memory_space<vmem>>
    %dma_wait3A_25 = arith.constant 0 : i32
    %dma_wait3A_26 = arith.constant 0 : i32
    %dma_wait3A_27 = tpu.memref_slice %arg2[%dma_wait3A_25, %dma_wait3A_26] : memref<10240x1024xf32, #tpu.memory_space<hbm>> -> memref<10240x1024xf32, #tpu.memory_space<hbm>>
    tpu.wait_indirect_dma semaphore(%arg9 : memref<!tpu.dma_semaphore, #tpu.memory_space<semaphore_mem>>) src(%dma_wait3A_27 : memref<10240x1024xf32, #tpu.memory_space<hbm>>) dst(%arg7 : memref<32x1024xf32, #tpu.memory_space<vmem>>)
    %add3A_28 = arith.constant 32 : i32
    %add3A_29 = arith.addi %mul3A_2, %add3A_28 : i32
    "tpu.region"() ({
      %run_scoped3A = tpu.sem_alloc : memref<!tpu.dma_semaphore, #tpu.memory_space<semaphore_mem>>
      %dma_start3A_49 = arith.constant 0 : i32
      %dma_start3A_50 = tpu.memref_slice %arg4[%add3A_29, %dma_start3A_49] : memref<4096x1024xf32, #tpu.memory_space<hbm>> -> memref<32x1024xf32, #tpu.memory_space<hbm>>
      %dma_start3A_51 = arith.constant 0 : i32
      %dma_start3A_52 = tpu.memref_slice %arg4[%add3A_29, %dma_start3A_51] : memref<4096x1024xf32, #tpu.memory_space<hbm>> -> memref<32x1024xf32, #tpu.memory_space<hbm>>
      tpu.enqueue_dma source(%arg7 : memref<32x1024xf32, #tpu.memory_space<vmem>>) target(%dma_start3A_52 : memref<32x1024xf32, #tpu.memory_space<hbm>>) target_semaphore(%run_scoped3A : memref<!tpu.dma_semaphore, #tpu.memory_space<semaphore_mem>>)
      %dma_wait3A_53 = arith.constant 0 : i32
      %dma_wait3A_54 = tpu.memref_slice %arg4[%add3A_29, %dma_wait3A_53] : memref<4096x1024xf32, #tpu.memory_space<hbm>> -> memref<32x1024xf32, #tpu.memory_space<hbm>>
      %dma_wait3A_55 = arith.constant 0 : i32
      %dma_wait3A_56 = tpu.memref_slice %arg4[%add3A_29, %dma_wait3A_55] : memref<4096x1024xf32, #tpu.memory_space<hbm>> -> memref<32x1024xf32, #tpu.memory_space<hbm>>
      tpu.wait_dma2 semaphore(%run_scoped3A : memref<!tpu.dma_semaphore, #tpu.memory_space<semaphore_mem>>) src(%arg7 : memref<32x1024xf32, #tpu.memory_space<vmem>>) dst(%dma_wait3A_56 : memref<32x1024xf32, #tpu.memory_space<hbm>>)
      tpu.yield
    }) : () -> ()
    %dma_start3A_30 = arith.constant 96 : i32
    %dma_start3A_31 = tpu.memref_slice %arg5[%dma_start3A_30] : memref<128xi32, #tpu.memory_space<vmem>> -> memref<32xi32, #tpu.memory_space<vmem>>
    %dma_start3A_32 = arith.constant 0 : i32
    %dma_start3A_33 = arith.constant 0 : i32
    %dma_start3A_34 = tpu.memref_slice %arg2[%dma_start3A_32, %dma_start3A_33] : memref<10240x1024xf32, #tpu.memory_space<hbm>> -> memref<10240x1024xf32, #tpu.memory_space<hbm>>
    tpu.enqueue_indirect_dma source(%dma_start3A_34 : memref<10240x1024xf32, #tpu.memory_space<hbm>>) target(%arg7 : memref<32x1024xf32, #tpu.memory_space<vmem>>) offsets(%dma_start3A_31 : memref<32xi32, #tpu.memory_space<vmem>>) semaphore(%arg9 : memref<!tpu.dma_semaphore, #tpu.memory_space<semaphore_mem>>)
    %dma_wait3A_35 = arith.constant 64 : i32
    %dma_wait3A_36 = tpu.memref_slice %arg5[%dma_wait3A_35] : memref<128xi32, #tpu.memory_space<vmem>> -> memref<32xi32, #tpu.memory_space<vmem>>
    %dma_wait3A_37 = arith.constant 0 : i32
    %dma_wait3A_38 = arith.constant 0 : i32
    %dma_wait3A_39 = tpu.memref_slice %arg2[%dma_wait3A_37, %dma_wait3A_38] : memref<10240x1024xf32, #tpu.memory_space<hbm>> -> memref<10240x1024xf32, #tpu.memory_space<hbm>>
    tpu.wait_indirect_dma semaphore(%arg8 : memref<!tpu.dma_semaphore, #tpu.memory_space<semaphore_mem>>) src(%dma_wait3A_39 : memref<10240x1024xf32, #tpu.memory_space<hbm>>) dst(%arg6 : memref<32x1024xf32, #tpu.memory_space<vmem>>)
    %add3A_40 = arith.constant 64 : i32
    %add3A_41 = arith.addi %mul3A_2, %add3A_40 : i32
    "tpu.region"() ({
      %run_scoped3A = tpu.sem_alloc : memref<!tpu.dma_semaphore, #tpu.memory_space<semaphore_mem>>
      %dma_start3A_49 = arith.constant 0 : i32
      %dma_start3A_50 = tpu.memref_slice %arg4[%add3A_41, %dma_start3A_49] : memref<4096x1024xf32, #tpu.memory_space<hbm>> -> memref<32x1024xf32, #tpu.memory_space<hbm>>
      %dma_start3A_51 = arith.constant 0 : i32
      %dma_start3A_52 = tpu.memref_slice %arg4[%add3A_41, %dma_start3A_51] : memref<4096x1024xf32, #tpu.memory_space<hbm>> -> memref<32x1024xf32, #tpu.memory_space<hbm>>
      tpu.enqueue_dma source(%arg6 : memref<32x1024xf32, #tpu.memory_space<vmem>>) target(%dma_start3A_52 : memref<32x1024xf32, #tpu.memory_space<hbm>>) target_semaphore(%run_scoped3A : memref<!tpu.dma_semaphore, #tpu.memory_space<semaphore_mem>>)
      %dma_wait3A_53 = arith.constant 0 : i32
      %dma_wait3A_54 = tpu.memref_slice %arg4[%add3A_41, %dma_wait3A_53] : memref<4096x1024xf32, #tpu.memory_space<hbm>> -> memref<32x1024xf32, #tpu.memory_space<hbm>>
      %dma_wait3A_55 = arith.constant 0 : i32
      %dma_wait3A_56 = tpu.memref_slice %arg4[%add3A_41, %dma_wait3A_55] : memref<4096x1024xf32, #tpu.memory_space<hbm>> -> memref<32x1024xf32, #tpu.memory_space<hbm>>
      tpu.wait_dma2 semaphore(%run_scoped3A : memref<!tpu.dma_semaphore, #tpu.memory_space<semaphore_mem>>) src(%arg6 : memref<32x1024xf32, #tpu.memory_space<vmem>>) dst(%dma_wait3A_56 : memref<32x1024xf32, #tpu.memory_space<hbm>>)
      tpu.yield
    }) : () -> ()
    %dma_wait3A_42 = arith.constant 96 : i32
    %dma_wait3A_43 = tpu.memref_slice %arg5[%dma_wait3A_42] : memref<128xi32, #tpu.memory_space<vmem>> -> memref<32xi32, #tpu.memory_space<vmem>>
    %dma_wait3A_44 = arith.constant 0 : i32
    %dma_wait3A_45 = arith.constant 0 : i32
    %dma_wait3A_46 = tpu.memref_slice %arg2[%dma_wait3A_44, %dma_wait3A_45] : memref<10240x1024xf32, #tpu.memory_space<hbm>> -> memref<10240x1024xf32, #tpu.memory_space<hbm>>
    tpu.wait_indirect_dma semaphore(%arg9 : memref<!tpu.dma_semaphore, #tpu.memory_space<semaphore_mem>>) src(%dma_wait3A_46 : memref<10240x1024xf32, #tpu.memory_space<hbm>>) dst(%arg7 : memref<32x1024xf32, #tpu.memory_space<vmem>>)
    %add3A_47 = arith.constant 96 : i32
    %add3A_48 = arith.addi %mul3A_2, %add3A_47 : i32
    "tpu.region"() ({
      %run_scoped3A = tpu.sem_alloc : memref<!tpu.dma_semaphore, #tpu.memory_space<semaphore_mem>>
      %dma_start3A_49 = arith.constant 0 : i32
      %dma_start3A_50 = tpu.memref_slice %arg4[%add3A_48, %dma_start3A_49] : memref<4096x1024xf32, #tpu.memory_space<hbm>> -> memref<32x1024xf32, #tpu.memory_space<hbm>>
      %dma_start3A_51 = arith.constant 0 : i32
      %dma_start3A_52 = tpu.memref_slice %arg4[%add3A_48, %dma_start3A_51] : memref<4096x1024xf32, #tpu.memory_space<hbm>> -> memref<32x1024xf32, #tpu.memory_space<hbm>>
      tpu.enqueue_dma source(%arg7 : memref<32x1024xf32, #tpu.memory_space<vmem>>) target(%dma_start3A_52 : memref<32x1024xf32, #tpu.memory_space<hbm>>) target_semaphore(%run_scoped3A : memref<!tpu.dma_semaphore, #tpu.memory_space<semaphore_mem>>)
      %dma_wait3A_53 = arith.constant 0 : i32
      %dma_wait3A_54 = tpu.memref_slice %arg4[%add3A_48, %dma_wait3A_53] : memref<4096x1024xf32, #tpu.memory_space<hbm>> -> memref<32x1024xf32, #tpu.memory_space<hbm>>
      %dma_wait3A_55 = arith.constant 0 : i32
      %dma_wait3A_56 = tpu.memref_slice %arg4[%add3A_48, %dma_wait3A_55] : memref<4096x1024xf32, #tpu.memory_space<hbm>> -> memref<32x1024xf32, #tpu.memory_space<hbm>>
      tpu.wait_dma2 semaphore(%run_scoped3A : memref<!tpu.dma_semaphore, #tpu.memory_space<semaphore_mem>>) src(%arg7 : memref<32x1024xf32, #tpu.memory_space<vmem>>) dst(%dma_wait3A_56 : memref<32x1024xf32, #tpu.memory_space<hbm>>)
      tpu.yield
    }) : () -> ()
    return
  }
}

module attributes {stable_mosaic.version = 14 : i64} {
  func.func @_router_body(%arg0: i32, %arg1: memref<256x1024xf32, #tpu.memory_space<vmem>>, %arg2: memref<8x1024xf32, #tpu.memory_space<vmem>>, %arg3: memref<256x2xf32, #tpu.memory_space<vmem>>, %arg4: memref<256x2xi32, #tpu.memory_space<vmem>>, %arg5: memref<256x2xi32, #tpu.memory_space<vmem>>, %arg6: memref<1x8xi32, #tpu.memory_space<vmem>>, %arg7: memref<1x8xf32, #tpu.memory_space<vmem>>) attributes {dimension_semantics = [#tpu.dimension_semantics<arbitrary>], iteration_bounds = array<i64: 8>, scalar_prefetch = 0 : i64, scratch_operands = 1 : i64, tpu.core_type = #tpu.core_type<tc>, window_params = [{transform_indices = @transform_0, window_bounds = array<i64: 256, 1024>}, {pipeline_mode = #tpu.pipeline_mode<synchronous>, transform_indices = @transform_1, window_bounds = array<i64: 8, 1024>}, {transform_indices = @transform_2, window_bounds = array<i64: 256, 2>}, {transform_indices = @transform_3, window_bounds = array<i64: 256, 2>}, {transform_indices = @transform_4, window_bounds = array<i64: 256, 2>}, {pipeline_mode = #tpu.pipeline_mode<synchronous>, transform_indices = @transform_5, window_bounds = array<i64: 1, 8>}]} {
    %eq3A = arith.constant 0 : i32
    %eq3A_0 = arith.cmpi eq, %arg0, %eq3A : i32
    %convert_element_type3A = arith.extui %eq3A_0 : i1 to i32
    %cond3A = arith.constant 0 : i32
    %cond3A_1 = arith.cmpi ne, %convert_element_type3A, %cond3A : i32
    scf.if %cond3A_1 {
      %broadcast_in_dim3A_96 = arith.constant 0.000000e+00 : f32
      %broadcast_in_dim3A_97 = vector.broadcast %broadcast_in_dim3A_96 : f32 to vector<1x8xf32>
      %swap3A_98 = arith.constant 0 : index
      %swap3A_99 = arith.constant 0 : index
      %swap3A_100 = vector.load %arg7[%swap3A_98, %swap3A_99] : memref<1x8xf32, #tpu.memory_space<vmem>>, vector<1x8xf32>
      tpu.vector_store %arg7[%swap3A_98, %swap3A_99], %broadcast_in_dim3A_97 {strides = array<i32>} : memref<1x8xf32, #tpu.memory_space<vmem>>, vector<1x8xf32>,
    } else {
    }
    %get3A = arith.constant 0 : index
    %get3A_2 = arith.constant 0 : index
    %get3A_3 = vector.load %arg1[%get3A, %get3A_2] : memref<256x1024xf32, #tpu.memory_space<vmem>>, vector<256x1024xf32>
    %get3A_4 = arith.constant 0 : index
    %get3A_5 = arith.constant 0 : index
    %get3A_6 = vector.load %arg2[%get3A_4, %get3A_5] : memref<8x1024xf32, #tpu.memory_space<vmem>>, vector<8x1024xf32>
    %dot_general3A = arith.constant dense<0.000000e+00> : vector<256x8xf32>
    %dot_general3A_7 = tpu.matmul %get3A_3, %get3A_6, %dot_general3A {dimension_numbers = #tpu.dot_dimension_numbers<[1], [1], [0], [0], [0, 0, 1, 0], [], []>, transpose_lhs_hint = false} : vector<256x1024xf32>, vector<8x1024xf32>, vector<256x8xf32> -> vector<256x8xf32>
    %logistic3A = arith.negf %dot_general3A_7 : vector<256x8xf32>
    %logistic3A_8 = math.exp %logistic3A : vector<256x8xf32>
    %logistic3A_9 = arith.constant 1.000000e+00 : f32
    %logistic3A_10 = vector.broadcast %logistic3A_9 : f32 to vector<256x8xf32>
    %logistic3A_11 = arith.addf %logistic3A_10, %logistic3A_8 : vector<256x8xf32>
    %logistic3A_12 = arith.divf %logistic3A_10, %logistic3A_11 : vector<256x8xf32>
    %iota3A = tpu.iota {dimensions = array<i32: 1>} : vector<256x8xi32>
    %reduce_max3A = arith.constant dense<0xFF800000> : vector<256xf32>
    %reduce_max3A_13 = vector.multi_reduction <maximumf>, %logistic3A_12, %reduce_max3A [1] : vector<256x8xf32> to vector<256xf32>
    %broadcast_in_dim3A = vector.shape_cast %reduce_max3A_13 : vector<256xf32> to vector<256x1xf32>
    %eq3A_14 = vector.broadcast %broadcast_in_dim3A : vector<256x1xf32> to vector<256x8xf32>
    %eq3A_15 = arith.cmpf oeq, %logistic3A_12, %eq3A_14 : vector<256x8xf32>
    %jit3A = arith.constant 8 : i32
    %broadcast_in_dim3A_16 = vector.broadcast %jit3A : i32 to vector<256x8xi32>
    %select_n3A = arith.select %eq3A_15, %iota3A, %broadcast_in_dim3A_16 : vector<256x8xi1>, vector<256x8xi32>
    %reduce_min3A = arith.constant dense<2147483647> : vector<256xi32>
    %reduce_min3A_17 = vector.multi_reduction <minsi>, %select_n3A, %reduce_min3A [1] : vector<256x8xi32> to vector<256xi32>
    %broadcast_in_dim3A_18 = vector.shape_cast %reduce_min3A_17 : vector<256xi32> to vector<256x1xi32>
    %eq3A_19 = vector.broadcast %broadcast_in_dim3A_18 : vector<256x1xi32> to vector<256x8xi32>
    %eq3A_20 = arith.cmpi eq, %iota3A, %eq3A_19 : vector<256x8xi32>
    %jit3A_21 = arith.constant 0xFF800000 : f32
    %broadcast_in_dim3A_22 = vector.broadcast %jit3A_21 : f32 to vector<256x8xf32>
    %select_n3A_23 = arith.select %eq3A_20, %broadcast_in_dim3A_22, %logistic3A_12 : vector<256x8xi1>, vector<256x8xf32>
    %reduce_max3A_24 = arith.constant dense<0xFF800000> : vector<256xf32>
    %reduce_max3A_25 = vector.multi_reduction <maximumf>, %select_n3A_23, %reduce_max3A_24 [1] : vector<256x8xf32> to vector<256xf32>
    %broadcast_in_dim3A_26 = vector.shape_cast %reduce_max3A_25 : vector<256xf32> to vector<256x1xf32>
    %eq3A_27 = vector.broadcast %broadcast_in_dim3A_26 : vector<256x1xf32> to vector<256x8xf32>
    %eq3A_28 = arith.cmpf oeq, %select_n3A_23, %eq3A_27 : vector<256x8xf32>
    %jit3A_29 = arith.constant 8 : i32
    %broadcast_in_dim3A_30 = vector.broadcast %jit3A_29 : i32 to vector<256x8xi32>
    %select_n3A_31 = arith.select %eq3A_28, %iota3A, %broadcast_in_dim3A_30 : vector<256x8xi1>, vector<256x8xi32>
    %reduce_min3A_32 = arith.constant dense<2147483647> : vector<256xi32>
    %reduce_min3A_33 = vector.multi_reduction <minsi>, %select_n3A_31, %reduce_min3A_32 [1] : vector<256x8xi32> to vector<256xi32>
    %broadcast_in_dim3A_34 = vector.shape_cast %reduce_min3A_33 : vector<256xi32> to vector<256x1xi32>
    %add3A = arith.addf %broadcast_in_dim3A, %broadcast_in_dim3A_26 : vector<256x1xf32>
    %add3A_35 = arith.constant 9.99999997E-7 : f32
    %add3A_36 = vector.broadcast %add3A_35 : f32 to vector<256x1xf32>
    %add3A_37 = arith.addf %add3A, %add3A_36 : vector<256x1xf32>
    %div3A = arith.divf %broadcast_in_dim3A, %add3A_37 : vector<256x1xf32>
    %div3A_38 = arith.divf %broadcast_in_dim3A_26, %add3A_37 : vector<256x1xf32>
    %concatenate3A = tpu.concatenate %div3A, %div3A_38 in 1 : vector<256x1xf32>, vector<256x1xf32> -> vector<256x2xf32>
    %mul3A = arith.constant 2.500000e+00 : f32
    %mul3A_39 = vector.broadcast %mul3A : f32 to vector<256x2xf32>
    %mul3A_40 = arith.mulf %concatenate3A, %mul3A_39 : vector<256x2xf32>
    %swap3A = arith.constant 0 : index
    %swap3A_41 = arith.constant 0 : index
    %swap3A_42 = vector.load %arg3[%swap3A, %swap3A_41] : memref<256x2xf32, #tpu.memory_space<vmem>>, vector<256x2xf32>
    tpu.vector_store %arg3[%swap3A, %swap3A_41], %mul3A_40 {strides = array<i32>} : memref<256x2xf32, #tpu.memory_space<vmem>>, vector<256x2xf32>,
    %concatenate3A_43 = tpu.concatenate %broadcast_in_dim3A_18, %broadcast_in_dim3A_34 in 1 : vector<256x1xi32>, vector<256x1xi32> -> vector<256x2xi32>
    %swap3A_44 = arith.constant 0 : index
    %swap3A_45 = arith.constant 0 : index
    %swap3A_46 = vector.load %arg4[%swap3A_44, %swap3A_45] : memref<256x2xi32, #tpu.memory_space<vmem>>, vector<256x2xi32>
    tpu.vector_store %arg4[%swap3A_44, %swap3A_45], %concatenate3A_43 {strides = array<i32>} : memref<256x2xi32, #tpu.memory_space<vmem>>, vector<256x2xi32>,
    %eq3A_47 = vector.broadcast %broadcast_in_dim3A_18 : vector<256x1xi32> to vector<256x8xi32>
    %eq3A_48 = arith.cmpi eq, %iota3A, %eq3A_47 : vector<256x8xi32>
    %convert_element_type3A_49 = arith.extui %eq3A_48 : vector<256x8xi1> to vector<256x8xi32>
    %convert_element_type3A_50 = arith.sitofp %convert_element_type3A_49 : vector<256x8xi32> to vector<256x8xf32>
    %eq3A_51 = vector.broadcast %broadcast_in_dim3A_34 : vector<256x1xi32> to vector<256x8xi32>
    %eq3A_52 = arith.cmpi eq, %iota3A, %eq3A_51 : vector<256x8xi32>
    %convert_element_type3A_53 = arith.extui %eq3A_52 : vector<256x8xi1> to vector<256x8xi32>
    %convert_element_type3A_54 = arith.sitofp %convert_element_type3A_53 : vector<256x8xi32> to vector<256x8xf32>
    %add3A_55 = arith.addf %convert_element_type3A_50, %convert_element_type3A_54 : vector<256x8xf32>
    %iota3A_56 = tpu.iota {dimensions = array<i32: 0>} : vector<256x256xi32>
    %iota3A_57 = tpu.iota {dimensions = array<i32: 1>} : vector<256x256xi32>
    %lt3A = arith.cmpi slt, %iota3A_57, %iota3A_56 : vector<256x256xi32>
    %convert_element_type3A_58 = arith.extui %lt3A : vector<256x256xi1> to vector<256x256xi32>
    %convert_element_type3A_59 = arith.sitofp %convert_element_type3A_58 : vector<256x256xi32> to vector<256x256xf32>
    %dot_general3A_60 = arith.constant dense<0.000000e+00> : vector<256x8xf32>
    %dot_general3A_61 = tpu.matmul %convert_element_type3A_59, %add3A_55, %dot_general3A_60 {dimension_numbers = #tpu.dot_dimension_numbers<[1], [0], [0], [1], [0, 0, 1, 1], [], []>, transpose_lhs_hint = false} : vector<256x256xf32>, vector<256x8xf32>, vector<256x8xf32> -> vector<256x8xf32>
    %get3A_62 = arith.constant 0 : index
    %get3A_63 = arith.constant 0 : index
    %get3A_64 = vector.load %arg7[%get3A_62, %get3A_63] : memref<1x8xf32, #tpu.memory_space<vmem>>, vector<1x8xf32>
    %add3A_65 = vector.broadcast %get3A_64 : vector<1x8xf32> to vector<256x8xf32>
    %add3A_66 = arith.addf %dot_general3A_61, %add3A_65 : vector<256x8xf32>
    %mul3A_67 = arith.mulf %add3A_66, %convert_element_type3A_50 : vector<256x8xf32>
    %reduce_sum3A = arith.constant dense<0.000000e+00> : vector<256xf32>
    %reduce_sum3A_68 = vector.multi_reduction <add>, %mul3A_67, %reduce_sum3A [1] : vector<256x8xf32> to vector<256xf32>
    %broadcast_in_dim3A_69 = vector.shape_cast %reduce_sum3A_68 : vector<256xf32> to vector<256x1xf32>
    %mul3A_70 = arith.mulf %add3A_66, %convert_element_type3A_54 : vector<256x8xf32>
    %reduce_sum3A_71 = arith.constant dense<0.000000e+00> : vector<256xf32>
    %reduce_sum3A_72 = vector.multi_reduction <add>, %mul3A_70, %reduce_sum3A_71 [1] : vector<256x8xf32> to vector<256xf32>
    %broadcast_in_dim3A_73 = vector.shape_cast %reduce_sum3A_72 : vector<256xf32> to vector<256x1xf32>
    %concatenate3A_74 = tpu.concatenate %broadcast_in_dim3A_69, %broadcast_in_dim3A_73 in 1 : vector<256x1xf32>, vector<256x1xf32> -> vector<256x2xf32>
    %convert_element_type3A_75 = arith.fptosi %concatenate3A_74 : vector<256x2xf32> to vector<256x2xi32>
    %swap3A_76 = arith.constant 0 : index
    %swap3A_77 = arith.constant 0 : index
    %swap3A_78 = vector.load %arg5[%swap3A_76, %swap3A_77] : memref<256x2xi32, #tpu.memory_space<vmem>>, vector<256x2xi32>
    tpu.vector_store %arg5[%swap3A_76, %swap3A_77], %convert_element_type3A_75 {strides = array<i32>} : memref<256x2xi32, #tpu.memory_space<vmem>>, vector<256x2xi32>,
    %get3A_79 = arith.constant 0 : index
    %get3A_80 = arith.constant 0 : index
    %get3A_81 = vector.load %arg7[%get3A_79, %get3A_80] : memref<1x8xf32, #tpu.memory_space<vmem>>, vector<1x8xf32>
    %reduce_sum3A_82 = arith.constant dense<0.000000e+00> : vector<8xf32>
    %reduce_sum3A_83 = vector.multi_reduction <add>, %add3A_55, %reduce_sum3A_82 [0] : vector<256x8xf32> to vector<8xf32>
    %broadcast_in_dim3A_84 = vector.shape_cast %reduce_sum3A_83 : vector<8xf32> to vector<1x8xf32>
    %add3A_85 = arith.addf %get3A_81, %broadcast_in_dim3A_84 : vector<1x8xf32>
    %swap3A_86 = arith.constant 0 : index
    %swap3A_87 = arith.constant 0 : index
    %swap3A_88 = vector.load %arg7[%swap3A_86, %swap3A_87] : memref<1x8xf32, #tpu.memory_space<vmem>>, vector<1x8xf32>
    tpu.vector_store %arg7[%swap3A_86, %swap3A_87], %add3A_85 {strides = array<i32>} : memref<1x8xf32, #tpu.memory_space<vmem>>, vector<1x8xf32>,
    %get3A_89 = arith.constant 0 : index
    %get3A_90 = arith.constant 0 : index
    %get3A_91 = vector.load %arg7[%get3A_89, %get3A_90] : memref<1x8xf32, #tpu.memory_space<vmem>>, vector<1x8xf32>
    %convert_element_type3A_92 = arith.fptosi %get3A_91 : vector<1x8xf32> to vector<1x8xi32>
    %swap3A_93 = arith.constant 0 : index
    %swap3A_94 = arith.constant 0 : index
    %swap3A_95 = vector.load %arg6[%swap3A_93, %swap3A_94] : memref<1x8xi32, #tpu.memory_space<vmem>>, vector<1x8xi32>
    tpu.vector_store %arg6[%swap3A_93, %swap3A_94], %convert_element_type3A_92 {strides = array<i32>} : memref<1x8xi32, #tpu.memory_space<vmem>>, vector<1x8xi32>,
    return
  }
  func.func @transform_0(%arg0: i32) -> (i32, i32) {
    %c0_i32 = arith.constant 0 : i32
    %c0_i32_0 = arith.constant 0 : i32
    return %arg0, %c0_i32 : i32, i32
  }
  func.func @transform_1(%arg0: i32) -> (i32, i32) {
    %c0_i32 = arith.constant 0 : i32
    %c0_i32_0 = arith.constant 0 : i32
    %c0_i32_1 = arith.constant 0 : i32
    return %c0_i32, %c0_i32_0 : i32, i32
  }
  func.func @transform_2(%arg0: i32) -> (i32, i32) {
    %c0_i32 = arith.constant 0 : i32
    %c0_i32_0 = arith.constant 0 : i32
    return %arg0, %c0_i32 : i32, i32
  }
  func.func @transform_3(%arg0: i32) -> (i32, i32) {
    %c0_i32 = arith.constant 0 : i32
    %c0_i32_0 = arith.constant 0 : i32
    return %arg0, %c0_i32 : i32, i32
  }
  func.func @transform_4(%arg0: i32) -> (i32, i32) {
    %c0_i32 = arith.constant 0 : i32
    %c0_i32_0 = arith.constant 0 : i32
    return %arg0, %c0_i32 : i32, i32
  }
  func.func @transform_5(%arg0: i32) -> (i32, i32) {
    %c0_i32 = arith.constant 0 : i32
    %c0_i32_0 = arith.constant 0 : i32
    %c0_i32_1 = arith.constant 0 : i32
    return %c0_i32, %c0_i32_0 : i32, i32
  }
}

module attributes {stable_mosaic.version = 14 : i64} {
  func.func @body(%arg0: i32, %arg1: memref<5x21xi32, #tpu.memory_space<smem>>, %arg2: memref<512x1024xf32, #tpu.memory_space<vmem>>, %arg3: memref<512x1024xf32, #tpu.memory_space<vmem>>, %arg4: memref<1x512x1024xf32, #tpu.memory_space<vmem>>, %arg5: memref<1x512x1024xf32, #tpu.memory_space<vmem>>, %arg6: memref<1x1024x512xf32, #tpu.memory_space<vmem>>, %arg7: memref<1x512x1024xf32, #tpu.memory_space<vmem>>, %arg8: memref<1x512x1024xf32, #tpu.memory_space<vmem>>, %arg9: memref<1x1024x512xf32, #tpu.memory_space<vmem>>, %arg10: memref<512x1024xf32, #tpu.memory_space<vmem>>, %arg11: memref<512x1024xbf16, #tpu.memory_space<vmem>>, %arg12: memref<512x1024xbf16, #tpu.memory_space<vmem>>, %arg13: memref<1024x512xbf16, #tpu.memory_space<vmem>>, %arg14: memref<512x1024xbf16, #tpu.memory_space<vmem>>, %arg15: memref<512x1024xbf16, #tpu.memory_space<vmem>>, %arg16: memref<1024x512xbf16, #tpu.memory_space<vmem>>, %arg17: memref<512x1024xbf16, #tpu.memory_space<vmem>>) attributes {dimension_semantics = [#tpu.dimension_semantics<arbitrary>], iteration_bounds = array<i64: 21>, scalar_prefetch = 1 : i64, scratch_operands = 7 : i64, tpu.core_type = #tpu.core_type<tc>, window_params = [{transform_indices = @transform_0, window_bounds = array<i64: 512, 1024>}, {transform_indices = @transform_1, window_bounds = array<i64: 512, 1024>}, {transform_indices = @transform_2, window_bounds = array<i64: 1, 512, 1024>}, {transform_indices = @transform_3, window_bounds = array<i64: 1, 512, 1024>}, {transform_indices = @transform_4, window_bounds = array<i64: 1, 1024, 512>}, {pipeline_mode = #tpu.pipeline_mode<synchronous>, transform_indices = @transform_5, window_bounds = array<i64: 1, 512, 1024>}, {pipeline_mode = #tpu.pipeline_mode<synchronous>, transform_indices = @transform_6, window_bounds = array<i64: 1, 512, 1024>}, {pipeline_mode = #tpu.pipeline_mode<synchronous>, transform_indices = @transform_7, window_bounds = array<i64: 1, 1024, 512>}, {transform_indices = @transform_8, window_bounds = array<i64: 512, 1024>}]} {
    %get3A = arith.constant 0 : index
    %get3A_0 = arith.index_cast %arg0 : i32 to index
    %get3A_1 = memref.load %arg1[%get3A, %get3A_0] : memref<5x21xi32, #tpu.memory_space<smem>>
    %get3A_2 = arith.constant 1 : index
    %get3A_3 = arith.index_cast %arg0 : i32 to index
    %get3A_4 = memref.load %arg1[%get3A_2, %get3A_3] : memref<5x21xi32, #tpu.memory_space<smem>>
    %get3A_5 = arith.constant 2 : index
    %get3A_6 = arith.index_cast %arg0 : i32 to index
    %get3A_7 = memref.load %arg1[%get3A_5, %get3A_6] : memref<5x21xi32, #tpu.memory_space<smem>>
    %get3A_8 = arith.constant 4 : index
    %get3A_9 = arith.index_cast %arg0 : i32 to index
    %get3A_10 = memref.load %arg1[%get3A_8, %get3A_9] : memref<5x21xi32, #tpu.memory_space<smem>>
    %ge3A = arith.constant 0 : i32
    %ge3A_11 = arith.cmpi sge, %get3A_4, %ge3A : i32
    %lt3A = arith.constant 8 : i32
    %lt3A_12 = arith.cmpi slt, %get3A_4, %lt3A : i32
    %and3A = arith.andi %ge3A_11, %lt3A_12 : i1
    %eq3A = arith.constant 0 : i32
    %eq3A_13 = arith.cmpi eq, %get3A_10, %eq3A : i32
    %and3A_14 = arith.andi %and3A, %eq3A_13 : i1
    %convert_element_type3A = arith.extui %and3A_14 : i1 to i32
    %cond3A = arith.constant 0 : i32
    %cond3A_15 = arith.cmpi ne, %convert_element_type3A, %cond3A : i32
    scf.if %cond3A_15 {
      %get3A_72 = arith.constant 0 : index
      %get3A_73 = arith.constant 0 : index
      %get3A_74 = arith.constant 0 : index
      %get3A_75 = vector.load %arg4[%get3A_72, %get3A_73, %get3A_74] : memref<1x512x1024xf32, #tpu.memory_space<vmem>>, vector<1x512x1024xf32>
      %get3A_76 = vector.shape_cast %get3A_75 : vector<1x512x1024xf32> to vector<512x1024xf32>
      %convert_element_type3A_77 = arith.truncf %get3A_76 : vector<512x1024xf32> to vector<512x1024xbf16>
      %swap3A = arith.constant 0 : index
      %swap3A_78 = arith.constant 0 : index
      %swap3A_79 = vector.load %arg11[%swap3A, %swap3A_78] : memref<512x1024xbf16, #tpu.memory_space<vmem>>, vector<512x1024xbf16>
      tpu.vector_store %arg11[%swap3A, %swap3A_78], %convert_element_type3A_77 {strides = array<i32>} : memref<512x1024xbf16, #tpu.memory_space<vmem>>, vector<512x1024xbf16>,
      %get3A_80 = arith.constant 0 : index
      %get3A_81 = arith.constant 0 : index
      %get3A_82 = arith.constant 0 : index
      %get3A_83 = vector.load %arg5[%get3A_80, %get3A_81, %get3A_82] : memref<1x512x1024xf32, #tpu.memory_space<vmem>>, vector<1x512x1024xf32>
      %get3A_84 = vector.shape_cast %get3A_83 : vector<1x512x1024xf32> to vector<512x1024xf32>
      %convert_element_type3A_85 = arith.truncf %get3A_84 : vector<512x1024xf32> to vector<512x1024xbf16>
      %swap3A_86 = arith.constant 0 : index
      %swap3A_87 = arith.constant 0 : index
      %swap3A_88 = vector.load %arg12[%swap3A_86, %swap3A_87] : memref<512x1024xbf16, #tpu.memory_space<vmem>>, vector<512x1024xbf16>
      tpu.vector_store %arg12[%swap3A_86, %swap3A_87], %convert_element_type3A_85 {strides = array<i32>} : memref<512x1024xbf16, #tpu.memory_space<vmem>>, vector<512x1024xbf16>,
      %get3A_89 = arith.constant 0 : index
      %get3A_90 = arith.constant 0 : index
      %get3A_91 = arith.constant 0 : index
      %get3A_92 = vector.load %arg6[%get3A_89, %get3A_90, %get3A_91] : memref<1x1024x512xf32, #tpu.memory_space<vmem>>, vector<1x1024x512xf32>
      %get3A_93 = vector.shape_cast %get3A_92 : vector<1x1024x512xf32> to vector<1024x512xf32>
      %convert_element_type3A_94 = arith.truncf %get3A_93 : vector<1024x512xf32> to vector<1024x512xbf16>
      %swap3A_95 = arith.constant 0 : index
      %swap3A_96 = arith.constant 0 : index
      %swap3A_97 = vector.load %arg13[%swap3A_95, %swap3A_96] : memref<1024x512xbf16, #tpu.memory_space<vmem>>, vector<1024x512xbf16>
      tpu.vector_store %arg13[%swap3A_95, %swap3A_96], %convert_element_type3A_94 {strides = array<i32>} : memref<1024x512xbf16, #tpu.memory_space<vmem>>, vector<1024x512xbf16>,
    } else {
    }
    %ge3A_16 = arith.constant 0 : i32
    %ge3A_17 = arith.cmpi sge, %get3A_4, %ge3A_16 : i32
    %lt3A_18 = arith.constant 8 : i32
    %lt3A_19 = arith.cmpi slt, %get3A_4, %lt3A_18 : i32
    %and3A_20 = arith.andi %ge3A_17, %lt3A_19 : i1
    %eq3A_21 = arith.constant 1 : i32
    %eq3A_22 = arith.cmpi eq, %get3A_10, %eq3A_21 : i32
    %and3A_23 = arith.andi %and3A_20, %eq3A_22 : i1
    %convert_element_type3A_24 = arith.extui %and3A_23 : i1 to i32
    %cond3A_25 = arith.constant 0 : i32
    %cond3A_26 = arith.cmpi ne, %convert_element_type3A_24, %cond3A_25 : i32
    scf.if %cond3A_26 {
      %get3A_72 = arith.constant 0 : index
      %get3A_73 = arith.constant 0 : index
      %get3A_74 = arith.constant 0 : index
      %get3A_75 = vector.load %arg4[%get3A_72, %get3A_73, %get3A_74] : memref<1x512x1024xf32, #tpu.memory_space<vmem>>, vector<1x512x1024xf32>
      %get3A_76 = vector.shape_cast %get3A_75 : vector<1x512x1024xf32> to vector<512x1024xf32>
      %convert_element_type3A_77 = arith.truncf %get3A_76 : vector<512x1024xf32> to vector<512x1024xbf16>
      %swap3A = arith.constant 0 : index
      %swap3A_78 = arith.constant 0 : index
      %swap3A_79 = vector.load %arg14[%swap3A, %swap3A_78] : memref<512x1024xbf16, #tpu.memory_space<vmem>>, vector<512x1024xbf16>
      tpu.vector_store %arg14[%swap3A, %swap3A_78], %convert_element_type3A_77 {strides = array<i32>} : memref<512x1024xbf16, #tpu.memory_space<vmem>>, vector<512x1024xbf16>,
      %get3A_80 = arith.constant 0 : index
      %get3A_81 = arith.constant 0 : index
      %get3A_82 = arith.constant 0 : index
      %get3A_83 = vector.load %arg5[%get3A_80, %get3A_81, %get3A_82] : memref<1x512x1024xf32, #tpu.memory_space<vmem>>, vector<1x512x1024xf32>
      %get3A_84 = vector.shape_cast %get3A_83 : vector<1x512x1024xf32> to vector<512x1024xf32>
      %convert_element_type3A_85 = arith.truncf %get3A_84 : vector<512x1024xf32> to vector<512x1024xbf16>
      %swap3A_86 = arith.constant 0 : index
      %swap3A_87 = arith.constant 0 : index
      %swap3A_88 = vector.load %arg15[%swap3A_86, %swap3A_87] : memref<512x1024xbf16, #tpu.memory_space<vmem>>, vector<512x1024xbf16>
      tpu.vector_store %arg15[%swap3A_86, %swap3A_87], %convert_element_type3A_85 {strides = array<i32>} : memref<512x1024xbf16, #tpu.memory_space<vmem>>, vector<512x1024xbf16>,
      %get3A_89 = arith.constant 0 : index
      %get3A_90 = arith.constant 0 : index
      %get3A_91 = arith.constant 0 : index
      %get3A_92 = vector.load %arg6[%get3A_89, %get3A_90, %get3A_91] : memref<1x1024x512xf32, #tpu.memory_space<vmem>>, vector<1x1024x512xf32>
      %get3A_93 = vector.shape_cast %get3A_92 : vector<1x1024x512xf32> to vector<1024x512xf32>
      %convert_element_type3A_94 = arith.truncf %get3A_93 : vector<1024x512xf32> to vector<1024x512xbf16>
      %swap3A_95 = arith.constant 0 : index
      %swap3A_96 = arith.constant 0 : index
      %swap3A_97 = vector.load %arg16[%swap3A_95, %swap3A_96] : memref<1024x512xbf16, #tpu.memory_space<vmem>>, vector<1024x512xbf16>
      tpu.vector_store %arg16[%swap3A_95, %swap3A_96], %convert_element_type3A_94 {strides = array<i32>} : memref<1024x512xbf16, #tpu.memory_space<vmem>>, vector<1024x512xbf16>,
    } else {
    }
    %eq3A_27 = arith.constant 8 : i32
    %eq3A_28 = arith.cmpi eq, %get3A_4, %eq3A_27 : i32
    %eq3A_29 = arith.constant 0 : i32
    %eq3A_30 = arith.cmpi eq, %get3A_10, %eq3A_29 : i32
    %and3A_31 = arith.andi %eq3A_28, %eq3A_30 : i1
    %convert_element_type3A_32 = arith.extui %and3A_31 : i1 to i32
    %cond3A_33 = arith.constant 0 : i32
    %cond3A_34 = arith.cmpi ne, %convert_element_type3A_32, %cond3A_33 : i32
    scf.if %cond3A_34 {
      %get3A_72 = arith.constant 0 : index
      %get3A_73 = arith.constant 0 : index
      %get3A_74 = arith.constant 0 : index
      %get3A_75 = vector.load %arg7[%get3A_72, %get3A_73, %get3A_74] : memref<1x512x1024xf32, #tpu.memory_space<vmem>>, vector<1x512x1024xf32>
      %get3A_76 = vector.shape_cast %get3A_75 : vector<1x512x1024xf32> to vector<512x1024xf32>
      %convert_element_type3A_77 = arith.truncf %get3A_76 : vector<512x1024xf32> to vector<512x1024xbf16>
      %swap3A = arith.constant 0 : index
      %swap3A_78 = arith.constant 0 : index
      %swap3A_79 = vector.load %arg11[%swap3A, %swap3A_78] : memref<512x1024xbf16, #tpu.memory_space<vmem>>, vector<512x1024xbf16>
      tpu.vector_store %arg11[%swap3A, %swap3A_78], %convert_element_type3A_77 {strides = array<i32>} : memref<512x1024xbf16, #tpu.memory_space<vmem>>, vector<512x1024xbf16>,
      %get3A_80 = arith.constant 0 : index
      %get3A_81 = arith.constant 0 : index
      %get3A_82 = arith.constant 0 : index
      %get3A_83 = vector.load %arg8[%get3A_80, %get3A_81, %get3A_82] : memref<1x512x1024xf32, #tpu.memory_space<vmem>>, vector<1x512x1024xf32>
      %get3A_84 = vector.shape_cast %get3A_83 : vector<1x512x1024xf32> to vector<512x1024xf32>
      %convert_element_type3A_85 = arith.truncf %get3A_84 : vector<512x1024xf32> to vector<512x1024xbf16>
      %swap3A_86 = arith.constant 0 : index
      %swap3A_87 = arith.constant 0 : index
      %swap3A_88 = vector.load %arg12[%swap3A_86, %swap3A_87] : memref<512x1024xbf16, #tpu.memory_space<vmem>>, vector<512x1024xbf16>
      tpu.vector_store %arg12[%swap3A_86, %swap3A_87], %convert_element_type3A_85 {strides = array<i32>} : memref<512x1024xbf16, #tpu.memory_space<vmem>>, vector<512x1024xbf16>,
      %get3A_89 = arith.constant 0 : index
      %get3A_90 = arith.constant 0 : index
      %get3A_91 = arith.constant 0 : index
      %get3A_92 = vector.load %arg9[%get3A_89, %get3A_90, %get3A_91] : memref<1x1024x512xf32, #tpu.memory_space<vmem>>, vector<1x1024x512xf32>
      %get3A_93 = vector.shape_cast %get3A_92 : vector<1x1024x512xf32> to vector<1024x512xf32>
      %convert_element_type3A_94 = arith.truncf %get3A_93 : vector<1024x512xf32> to vector<1024x512xbf16>
      %swap3A_95 = arith.constant 0 : index
      %swap3A_96 = arith.constant 0 : index
      %swap3A_97 = vector.load %arg13[%swap3A_95, %swap3A_96] : memref<1024x512xbf16, #tpu.memory_space<vmem>>, vector<1024x512xbf16>
      tpu.vector_store %arg13[%swap3A_95, %swap3A_96], %convert_element_type3A_94 {strides = array<i32>} : memref<1024x512xbf16, #tpu.memory_space<vmem>>, vector<1024x512xbf16>,
    } else {
    }
    %eq3A_35 = arith.constant 8 : i32
    %eq3A_36 = arith.cmpi eq, %get3A_4, %eq3A_35 : i32
    %eq3A_37 = arith.constant 1 : i32
    %eq3A_38 = arith.cmpi eq, %get3A_10, %eq3A_37 : i32
    %and3A_39 = arith.andi %eq3A_36, %eq3A_38 : i1
    %convert_element_type3A_40 = arith.extui %and3A_39 : i1 to i32
    %cond3A_41 = arith.constant 0 : i32
    %cond3A_42 = arith.cmpi ne, %convert_element_type3A_40, %cond3A_41 : i32
    scf.if %cond3A_42 {
      %get3A_72 = arith.constant 0 : index
      %get3A_73 = arith.constant 0 : index
      %get3A_74 = arith.constant 0 : index
      %get3A_75 = vector.load %arg7[%get3A_72, %get3A_73, %get3A_74] : memref<1x512x1024xf32, #tpu.memory_space<vmem>>, vector<1x512x1024xf32>
      %get3A_76 = vector.shape_cast %get3A_75 : vector<1x512x1024xf32> to vector<512x1024xf32>
      %convert_element_type3A_77 = arith.truncf %get3A_76 : vector<512x1024xf32> to vector<512x1024xbf16>
      %swap3A = arith.constant 0 : index
      %swap3A_78 = arith.constant 0 : index
      %swap3A_79 = vector.load %arg14[%swap3A, %swap3A_78] : memref<512x1024xbf16, #tpu.memory_space<vmem>>, vector<512x1024xbf16>
      tpu.vector_store %arg14[%swap3A, %swap3A_78], %convert_element_type3A_77 {strides = array<i32>} : memref<512x1024xbf16, #tpu.memory_space<vmem>>, vector<512x1024xbf16>,
      %get3A_80 = arith.constant 0 : index
      %get3A_81 = arith.constant 0 : index
      %get3A_82 = arith.constant 0 : index
      %get3A_83 = vector.load %arg8[%get3A_80, %get3A_81, %get3A_82] : memref<1x512x1024xf32, #tpu.memory_space<vmem>>, vector<1x512x1024xf32>
      %get3A_84 = vector.shape_cast %get3A_83 : vector<1x512x1024xf32> to vector<512x1024xf32>
      %convert_element_type3A_85 = arith.truncf %get3A_84 : vector<512x1024xf32> to vector<512x1024xbf16>
      %swap3A_86 = arith.constant 0 : index
      %swap3A_87 = arith.constant 0 : index
      %swap3A_88 = vector.load %arg15[%swap3A_86, %swap3A_87] : memref<512x1024xbf16, #tpu.memory_space<vmem>>, vector<512x1024xbf16>
      tpu.vector_store %arg15[%swap3A_86, %swap3A_87], %convert_element_type3A_85 {strides = array<i32>} : memref<512x1024xbf16, #tpu.memory_space<vmem>>, vector<512x1024xbf16>,
      %get3A_89 = arith.constant 0 : index
      %get3A_90 = arith.constant 0 : index
      %get3A_91 = arith.constant 0 : index
      %get3A_92 = vector.load %arg9[%get3A_89, %get3A_90, %get3A_91] : memref<1x1024x512xf32, #tpu.memory_space<vmem>>, vector<1x1024x512xf32>
      %get3A_93 = vector.shape_cast %get3A_92 : vector<1x1024x512xf32> to vector<1024x512xf32>
      %convert_element_type3A_94 = arith.truncf %get3A_93 : vector<1024x512xf32> to vector<1024x512xbf16>
      %swap3A_95 = arith.constant 0 : index
      %swap3A_96 = arith.constant 0 : index
      %swap3A_97 = vector.load %arg16[%swap3A_95, %swap3A_96] : memref<1024x512xbf16, #tpu.memory_space<vmem>>, vector<1024x512xbf16>
      tpu.vector_store %arg16[%swap3A_95, %swap3A_96], %convert_element_type3A_94 {strides = array<i32>} : memref<1024x512xbf16, #tpu.memory_space<vmem>>, vector<1024x512xbf16>,
    } else {
    }
    %ge3A_43 = arith.constant 0 : i32
    %ge3A_44 = arith.cmpi sge, %get3A_1, %ge3A_43 : i32
    %lt3A_45 = arith.constant 8 : i32
    %lt3A_46 = arith.cmpi slt, %get3A_1, %lt3A_45 : i32
    %and3A_47 = arith.andi %ge3A_44, %lt3A_46 : i1
    %convert_element_type3A_48 = arith.extui %and3A_47 : i1 to i32
    %cond3A_49 = arith.constant 0 : i32
    %cond3A_50 = arith.cmpi ne, %convert_element_type3A_48, %cond3A_49 : i32
    scf.if %cond3A_50 {
      %get3A_72 = arith.constant 0 : index
      %get3A_73 = arith.constant 0 : index
      %get3A_74 = vector.load %arg2[%get3A_72, %get3A_73] : memref<512x1024xf32, #tpu.memory_space<vmem>>, vector<512x1024xf32>
      %convert_element_type3A_75 = arith.truncf %get3A_74 : vector<512x1024xf32> to vector<512x1024xbf16>
      %swap3A = arith.constant 0 : index
      %swap3A_76 = arith.constant 0 : index
      %swap3A_77 = vector.load %arg17[%swap3A, %swap3A_76] : memref<512x1024xbf16, #tpu.memory_space<vmem>>, vector<512x1024xbf16>
      tpu.vector_store %arg17[%swap3A, %swap3A_76], %convert_element_type3A_75 {strides = array<i32>} : memref<512x1024xbf16, #tpu.memory_space<vmem>>, vector<512x1024xbf16>,
    } else {
    }
    %eq3A_51 = arith.constant 8 : i32
    %eq3A_52 = arith.cmpi eq, %get3A_1, %eq3A_51 : i32
    %convert_element_type3A_53 = arith.extui %eq3A_52 : i1 to i32
    %cond3A_54 = arith.constant 0 : i32
    %cond3A_55 = arith.cmpi ne, %convert_element_type3A_53, %cond3A_54 : i32
    scf.if %cond3A_55 {
      %get3A_72 = arith.constant 0 : index
      %get3A_73 = arith.constant 0 : index
      %get3A_74 = vector.load %arg3[%get3A_72, %get3A_73] : memref<512x1024xf32, #tpu.memory_space<vmem>>, vector<512x1024xf32>
      %convert_element_type3A_75 = arith.truncf %get3A_74 : vector<512x1024xf32> to vector<512x1024xbf16>
      %swap3A = arith.constant 0 : index
      %swap3A_76 = arith.constant 0 : index
      %swap3A_77 = vector.load %arg17[%swap3A, %swap3A_76] : memref<512x1024xbf16, #tpu.memory_space<vmem>>, vector<512x1024xbf16>
      tpu.vector_store %arg17[%swap3A, %swap3A_76], %convert_element_type3A_75 {strides = array<i32>} : memref<512x1024xbf16, #tpu.memory_space<vmem>>, vector<512x1024xbf16>,
    } else {
    }
    %ge3A_56 = arith.constant 0 : i32
    %ge3A_57 = arith.cmpi sge, %get3A_1, %ge3A_56 : i32
    %eq3A_58 = arith.constant 0 : i32
    %eq3A_59 = arith.cmpi eq, %get3A_7, %eq3A_58 : i32
    %and3A_60 = arith.andi %ge3A_57, %eq3A_59 : i1
    %convert_element_type3A_61 = arith.extui %and3A_60 : i1 to i32
    %cond3A_62 = arith.constant 0 : i32
    %cond3A_63 = arith.cmpi ne, %convert_element_type3A_61, %cond3A_62 : i32
    scf.if %cond3A_63 {
      %get3A_72 = arith.constant 0 : index
      %get3A_73 = arith.constant 0 : index
      %get3A_74 = vector.load %arg17[%get3A_72, %get3A_73] : memref<512x1024xbf16, #tpu.memory_space<vmem>>, vector<512x1024xbf16>
      %get3A_75 = arith.constant 0 : index
      %get3A_76 = arith.constant 0 : index
      %get3A_77 = vector.load %arg11[%get3A_75, %get3A_76] : memref<512x1024xbf16, #tpu.memory_space<vmem>>, vector<512x1024xbf16>
      %dot_general3A = arith.constant dense<0.000000e+00> : vector<512x512xf32>
      %dot_general3A_78 = tpu.matmul %get3A_74, %get3A_77, %dot_general3A {dimension_numbers = #tpu.dot_dimension_numbers<[1], [1], [0], [0], [0, 0, 1, 0], [], []>, transpose_lhs_hint = false} : vector<512x1024xbf16>, vector<512x1024xbf16>, vector<512x512xf32> -> vector<512x512xf32>
      %get3A_79 = arith.constant 0 : index
      %get3A_80 = arith.constant 0 : index
      %get3A_81 = vector.load %arg12[%get3A_79, %get3A_80] : memref<512x1024xbf16, #tpu.memory_space<vmem>>, vector<512x1024xbf16>
      %dot_general3A_82 = arith.constant dense<0.000000e+00> : vector<512x512xf32>
      %dot_general3A_83 = tpu.matmul %get3A_74, %get3A_81, %dot_general3A_82 {dimension_numbers = #tpu.dot_dimension_numbers<[1], [1], [0], [0], [0, 0, 1, 0], [], []>, transpose_lhs_hint = false} : vector<512x1024xbf16>, vector<512x1024xbf16>, vector<512x512xf32> -> vector<512x512xf32>
      %logistic3A = arith.negf %dot_general3A_78 : vector<512x512xf32>
      %logistic3A_84 = math.exp %logistic3A : vector<512x512xf32>
      %logistic3A_85 = arith.constant 1.000000e+00 : f32
      %logistic3A_86 = vector.broadcast %logistic3A_85 : f32 to vector<512x512xf32>
      %logistic3A_87 = arith.addf %logistic3A_86, %logistic3A_84 : vector<512x512xf32>
      %logistic3A_88 = arith.divf %logistic3A_86, %logistic3A_87 : vector<512x512xf32>
      %mul3A = arith.mulf %dot_general3A_78, %logistic3A_88 : vector<512x512xf32>
      %mul3A_89 = arith.mulf %mul3A, %dot_general3A_83 : vector<512x512xf32>
      %convert_element_type3A_90 = arith.truncf %mul3A_89 : vector<512x512xf32> to vector<512x512xbf16>
      %get3A_91 = arith.constant 0 : index
      %get3A_92 = arith.constant 0 : index
      %get3A_93 = vector.load %arg13[%get3A_91, %get3A_92] : memref<1024x512xbf16, #tpu.memory_space<vmem>>, vector<1024x512xbf16>
      %dot_general3A_94 = arith.constant dense<0.000000e+00> : vector<512x1024xf32>
      %dot_general3A_95 = tpu.matmul %convert_element_type3A_90, %get3A_93, %dot_general3A_94 {dimension_numbers = #tpu.dot_dimension_numbers<[1], [1], [0], [0], [0, 0, 1, 0], [], []>, transpose_lhs_hint = false} : vector<512x512xbf16>, vector<1024x512xbf16>, vector<512x1024xf32> -> vector<512x1024xf32>
      %swap3A = arith.constant 0 : index
      %swap3A_96 = arith.constant 0 : index
      %swap3A_97 = vector.load %arg10[%swap3A, %swap3A_96] : memref<512x1024xf32, #tpu.memory_space<vmem>>, vector<512x1024xf32>
      tpu.vector_store %arg10[%swap3A, %swap3A_96], %dot_general3A_95 {strides = array<i32>} : memref<512x1024xf32, #tpu.memory_space<vmem>>, vector<512x1024xf32>,
    } else {
    }
    %ge3A_64 = arith.constant 0 : i32
    %ge3A_65 = arith.cmpi sge, %get3A_1, %ge3A_64 : i32
    %eq3A_66 = arith.constant 1 : i32
    %eq3A_67 = arith.cmpi eq, %get3A_7, %eq3A_66 : i32
    %and3A_68 = arith.andi %ge3A_65, %eq3A_67 : i1
    %convert_element_type3A_69 = arith.extui %and3A_68 : i1 to i32
    %cond3A_70 = arith.constant 0 : i32
    %cond3A_71 = arith.cmpi ne, %convert_element_type3A_69, %cond3A_70 : i32
    scf.if %cond3A_71 {
      %get3A_72 = arith.constant 0 : index
      %get3A_73 = arith.constant 0 : index
      %get3A_74 = vector.load %arg17[%get3A_72, %get3A_73] : memref<512x1024xbf16, #tpu.memory_space<vmem>>, vector<512x1024xbf16>
      %get3A_75 = arith.constant 0 : index
      %get3A_76 = arith.constant 0 : index
      %get3A_77 = vector.load %arg14[%get3A_75, %get3A_76] : memref<512x1024xbf16, #tpu.memory_space<vmem>>, vector<512x1024xbf16>
      %dot_general3A = arith.constant dense<0.000000e+00> : vector<512x512xf32>
      %dot_general3A_78 = tpu.matmul %get3A_74, %get3A_77, %dot_general3A {dimension_numbers = #tpu.dot_dimension_numbers<[1], [1], [0], [0], [0, 0, 1, 0], [], []>, transpose_lhs_hint = false} : vector<512x1024xbf16>, vector<512x1024xbf16>, vector<512x512xf32> -> vector<512x512xf32>
      %get3A_79 = arith.constant 0 : index
      %get3A_80 = arith.constant 0 : index
      %get3A_81 = vector.load %arg15[%get3A_79, %get3A_80] : memref<512x1024xbf16, #tpu.memory_space<vmem>>, vector<512x1024xbf16>
      %dot_general3A_82 = arith.constant dense<0.000000e+00> : vector<512x512xf32>
      %dot_general3A_83 = tpu.matmul %get3A_74, %get3A_81, %dot_general3A_82 {dimension_numbers = #tpu.dot_dimension_numbers<[1], [1], [0], [0], [0, 0, 1, 0], [], []>, transpose_lhs_hint = false} : vector<512x1024xbf16>, vector<512x1024xbf16>, vector<512x512xf32> -> vector<512x512xf32>
      %logistic3A = arith.negf %dot_general3A_78 : vector<512x512xf32>
      %logistic3A_84 = math.exp %logistic3A : vector<512x512xf32>
      %logistic3A_85 = arith.constant 1.000000e+00 : f32
      %logistic3A_86 = vector.broadcast %logistic3A_85 : f32 to vector<512x512xf32>
      %logistic3A_87 = arith.addf %logistic3A_86, %logistic3A_84 : vector<512x512xf32>
      %logistic3A_88 = arith.divf %logistic3A_86, %logistic3A_87 : vector<512x512xf32>
      %mul3A = arith.mulf %dot_general3A_78, %logistic3A_88 : vector<512x512xf32>
      %mul3A_89 = arith.mulf %mul3A, %dot_general3A_83 : vector<512x512xf32>
      %convert_element_type3A_90 = arith.truncf %mul3A_89 : vector<512x512xf32> to vector<512x512xbf16>
      %get3A_91 = arith.constant 0 : index
      %get3A_92 = arith.constant 0 : index
      %get3A_93 = vector.load %arg16[%get3A_91, %get3A_92] : memref<1024x512xbf16, #tpu.memory_space<vmem>>, vector<1024x512xbf16>
      %dot_general3A_94 = arith.constant dense<0.000000e+00> : vector<512x1024xf32>
      %dot_general3A_95 = tpu.matmul %convert_element_type3A_90, %get3A_93, %dot_general3A_94 {dimension_numbers = #tpu.dot_dimension_numbers<[1], [1], [0], [0], [0, 0, 1, 0], [], []>, transpose_lhs_hint = false} : vector<512x512xbf16>, vector<1024x512xbf16>, vector<512x1024xf32> -> vector<512x1024xf32>
      %swap3A = arith.constant 0 : index
      %swap3A_96 = arith.constant 0 : index
      %swap3A_97 = vector.load %arg10[%swap3A, %swap3A_96] : memref<512x1024xf32, #tpu.memory_space<vmem>>, vector<512x1024xf32>
      tpu.vector_store %arg10[%swap3A, %swap3A_96], %dot_general3A_95 {strides = array<i32>} : memref<512x1024xf32, #tpu.memory_space<vmem>>, vector<512x1024xf32>,
    } else {
    }
    return
  }
  func.func @transform_0(%arg0: i32, %arg1: memref<5x21xi32, #tpu.memory_space<smem>>) -> (i32, i32) {
    %sub3A = arith.constant 1 : i32
    %sub3A_0 = arith.subi %arg0, %sub3A : i32
    %jit3A = arith.constant 0 : i32
    %jit3A_1 = arith.constant 15 : i32
    %max3A = arith.maxsi %jit3A, %sub3A_0 : i32
    %min3A = arith.minsi %jit3A_1, %max3A : i32
    %c0_i32 = arith.constant 0 : i32
    %c0_i32_2 = arith.constant 0 : i32
    return %min3A, %c0_i32 : i32, i32
  }
  func.func @transform_1(%arg0: i32, %arg1: memref<5x21xi32, #tpu.memory_space<smem>>) -> (i32, i32) {
    %sub3A = arith.constant 1 : i32
    %sub3A_0 = arith.subi %arg0, %sub3A : i32
    %sub3A_1 = arith.constant 16 : i32
    %sub3A_2 = arith.subi %sub3A_0, %sub3A_1 : i32
    %max3A = arith.constant 0 : i32
    %max3A_3 = arith.maxsi %sub3A_2, %max3A : i32
    %c0_i32 = arith.constant 0 : i32
    %c0_i32_4 = arith.constant 0 : i32
    return %max3A_3, %c0_i32 : i32, i32
  }
  func.func @transform_2(%arg0: i32, %arg1: memref<5x21xi32, #tpu.memory_space<smem>>) -> (i32, i32, i32) {
    %get3A = arith.constant 3 : index
    %get3A_0 = arith.index_cast %arg0 : i32 to index
    %get3A_1 = memref.load %arg1[%get3A, %get3A_0] : memref<5x21xi32, #tpu.memory_space<smem>>
    %c0_i32 = arith.constant 0 : i32
    %c0_i32_2 = arith.constant 0 : i32
    %c0_i32_3 = arith.constant 0 : i32
    return %get3A_1, %c0_i32, %c0_i32_2 : i32, i32, i32
  }
  func.func @transform_3(%arg0: i32, %arg1: memref<5x21xi32, #tpu.memory_space<smem>>) -> (i32, i32, i32) {
    %get3A = arith.constant 3 : index
    %get3A_0 = arith.index_cast %arg0 : i32 to index
    %get3A_1 = memref.load %arg1[%get3A, %get3A_0] : memref<5x21xi32, #tpu.memory_space<smem>>
    %c0_i32 = arith.constant 0 : i32
    %c0_i32_2 = arith.constant 0 : i32
    %c0_i32_3 = arith.constant 0 : i32
    return %get3A_1, %c0_i32, %c0_i32_2 : i32, i32, i32
  }
  func.func @transform_4(%arg0: i32, %arg1: memref<5x21xi32, #tpu.memory_space<smem>>) -> (i32, i32, i32) {
    %get3A = arith.constant 3 : index
    %get3A_0 = arith.index_cast %arg0 : i32 to index
    %get3A_1 = memref.load %arg1[%get3A, %get3A_0] : memref<5x21xi32, #tpu.memory_space<smem>>
    %c0_i32 = arith.constant 0 : i32
    %c0_i32_2 = arith.constant 0 : i32
    %c0_i32_3 = arith.constant 0 : i32
    return %get3A_1, %c0_i32, %c0_i32_2 : i32, i32, i32
  }
  func.func @transform_5(%arg0: i32, %arg1: memref<5x21xi32, #tpu.memory_space<smem>>) -> (i32, i32, i32) {
    %c0_i32 = arith.constant 0 : i32
    %c0_i32_0 = arith.constant 0 : i32
    %c0_i32_1 = arith.constant 0 : i32
    %c0_i32_2 = arith.constant 0 : i32
    return %c0_i32, %c0_i32_0, %c0_i32_1 : i32, i32, i32
  }
  func.func @transform_6(%arg0: i32, %arg1: memref<5x21xi32, #tpu.memory_space<smem>>) -> (i32, i32, i32) {
    %c0_i32 = arith.constant 0 : i32
    %c0_i32_0 = arith.constant 0 : i32
    %c0_i32_1 = arith.constant 0 : i32
    %c0_i32_2 = arith.constant 0 : i32
    return %c0_i32, %c0_i32_0, %c0_i32_1 : i32, i32, i32
  }
  func.func @transform_7(%arg0: i32, %arg1: memref<5x21xi32, #tpu.memory_space<smem>>) -> (i32, i32, i32) {
    %c0_i32 = arith.constant 0 : i32
    %c0_i32_0 = arith.constant 0 : i32
    %c0_i32_1 = arith.constant 0 : i32
    %c0_i32_2 = arith.constant 0 : i32
    return %c0_i32, %c0_i32_0, %c0_i32_1 : i32, i32, i32
  }
  func.func @transform_8(%arg0: i32, %arg1: memref<5x21xi32, #tpu.memory_space<smem>>) -> (i32, i32) {
    %sub3A = arith.constant 1 : i32
    %sub3A_0 = arith.subi %arg0, %sub3A : i32
    %max3A = arith.constant 0 : i32
    %max3A_1 = arith.maxsi %sub3A_0, %max3A : i32
    %c0_i32 = arith.constant 0 : i32
    %c0_i32_2 = arith.constant 0 : i32
    return %max3A_1, %c0_i32 : i32, i32
  }
}

module attributes {stable_mosaic.version = 14 : i64} {
  func.func @_combine_body(%arg0: i32, %arg1: memref<256x1024xf32, #tpu.memory_space<vmem>>, %arg2: memref<256x1024xf32, #tpu.memory_space<vmem>>, %arg3: memref<256x1024xf32, #tpu.memory_space<vmem>>, %arg4: memref<256x2xf32, #tpu.memory_space<vmem>>, %arg5: memref<256x1024xf32, #tpu.memory_space<vmem>>) attributes {dimension_semantics = [#tpu.dimension_semantics<arbitrary>], iteration_bounds = array<i64: 8>, scalar_prefetch = 0 : i64, scratch_operands = 0 : i64, tpu.core_type = #tpu.core_type<tc>, window_params = [{transform_indices = @transform_0, window_bounds = array<i64: 256, 1024>}, {transform_indices = @transform_1, window_bounds = array<i64: 256, 1024>}, {transform_indices = @transform_2, window_bounds = array<i64: 256, 1024>}, {transform_indices = @transform_3, window_bounds = array<i64: 256, 2>}, {transform_indices = @transform_4, window_bounds = array<i64: 256, 1024>}]} {
    %get3A = arith.constant 0 : index
    %get3A_0 = arith.constant 0 : index
    %get3A_1 = vector.load %arg4[%get3A, %get3A_0] : memref<256x2xf32, #tpu.memory_space<vmem>>, vector<256x2xf32>
    %slice3A = vector.extract_strided_slice %get3A_1 {offsets = [0, 0], sizes = [256, 1], strides = [1, 1]} : vector<256x2xf32> to vector<256x1xf32>
    %get3A_2 = arith.constant 0 : index
    %get3A_3 = arith.constant 0 : index
    %get3A_4 = vector.load %arg1[%get3A_2, %get3A_3] : memref<256x1024xf32, #tpu.memory_space<vmem>>, vector<256x1024xf32>
    %mul3A = vector.broadcast %slice3A : vector<256x1xf32> to vector<256x1024xf32>
    %mul3A_5 = arith.mulf %mul3A, %get3A_4 : vector<256x1024xf32>
    %slice3A_6 = vector.extract_strided_slice %get3A_1 {offsets = [0, 1], sizes = [256, 1], strides = [1, 1]} : vector<256x2xf32> to vector<256x1xf32>
    %get3A_7 = arith.constant 0 : index
    %get3A_8 = arith.constant 0 : index
    %get3A_9 = vector.load %arg2[%get3A_7, %get3A_8] : memref<256x1024xf32, #tpu.memory_space<vmem>>, vector<256x1024xf32>
    %mul3A_10 = vector.broadcast %slice3A_6 : vector<256x1xf32> to vector<256x1024xf32>
    %mul3A_11 = arith.mulf %mul3A_10, %get3A_9 : vector<256x1024xf32>
    %add3A = arith.addf %mul3A_5, %mul3A_11 : vector<256x1024xf32>
    %get3A_12 = arith.constant 0 : index
    %get3A_13 = arith.constant 0 : index
    %get3A_14 = vector.load %arg3[%get3A_12, %get3A_13] : memref<256x1024xf32, #tpu.memory_space<vmem>>, vector<256x1024xf32>
    %add3A_15 = arith.addf %add3A, %get3A_14 : vector<256x1024xf32>
    %swap3A = arith.constant 0 : index
    %swap3A_16 = arith.constant 0 : index
    %swap3A_17 = vector.load %arg5[%swap3A, %swap3A_16] : memref<256x1024xf32, #tpu.memory_space<vmem>>, vector<256x1024xf32>
    tpu.vector_store %arg5[%swap3A, %swap3A_16], %add3A_15 {strides = array<i32>} : memref<256x1024xf32, #tpu.memory_space<vmem>>, vector<256x1024xf32>,
    return
  }
  func.func @transform_0(%arg0: i32) -> (i32, i32) {
    %c0_i32 = arith.constant 0 : i32
    %c0_i32_0 = arith.constant 0 : i32
    return %arg0, %c0_i32 : i32, i32
  }
  func.func @transform_1(%arg0: i32) -> (i32, i32) {
    %add3A = arith.constant 8 : i32
    %add3A_0 = arith.addi %arg0, %add3A : i32
    %c0_i32 = arith.constant 0 : i32
    %c0_i32_1 = arith.constant 0 : i32
    return %add3A_0, %c0_i32 : i32, i32
  }
  func.func @transform_2(%arg0: i32) -> (i32, i32) {
    %add3A = arith.constant 32 : i32
    %add3A_0 = arith.addi %arg0, %add3A : i32
    %c0_i32 = arith.constant 0 : i32
    %c0_i32_1 = arith.constant 0 : i32
    return %add3A_0, %c0_i32 : i32, i32
  }
  func.func @transform_3(%arg0: i32) -> (i32, i32) {
    %c0_i32 = arith.constant 0 : i32
    %c0_i32_0 = arith.constant 0 : i32
    return %arg0, %c0_i32 : i32, i32
  }
  func.func @transform_4(%arg0: i32) -> (i32, i32) {
    %c0_i32 = arith.constant 0 : i32
    %c0_i32_0 = arith.constant 0 : i32
    return %arg0, %c0_i32 : i32, i32
  }
}

</mosaic_0001>

<sc_bundles>
// kernel: sc_dispatch_scatter.3.cloned.1.call-start
scs
__scs_entry_jumppad:
0x0: {  	(pc) =	sbr.rel $0x88, $3  }
0x1: {  	(tag) =	ssettag $0x0;
	lr =	simm.s32 $0x1  }
0x2: {  	[smem:$0x3F99] =	sst lr;
	_ =	strace $0xD0000000  }
0x3: {  	_ = 	snop  }
0x4: {  	_ = 	snop  }
0x5: {  	_ = 	snop  }
0x6: {  	_ = 	snop  }
0x7: {  	_ = 	snop  }
__scs_overlays_trampoline_lowered:
0x8: {  	[smem:$0x3FA8] =	sst s0  }
0x9: {  	[smem:$0x3FA9] =	sst s1  }
0xa: {  	[smem:$0x3FAA] =	sst s2  }
0xb: {  	[smem:$0x3FAB] =	sst s3  }
0xc: {  	[smem:$0x3FAC] =	sst s4  }
0xd: {  	[smem:$0x3FAD] =	sst s5  }
0xe: {  	[smem:$0x3FAE] =	sst s6  }
0xf: {  	[smem:$0x3FAF] =	sst s7  }
0x10: {  	[smem:$0x3FB0] =	sst s8  }
0x11: {  	[smem:$0x3FB1] =	sst s9;
	s0 =	simm.s32 @!p0 $0x0  }
0x12: {  	s1 =	sld [smem:$0x3F97];
	s0 =	simm.s32 @p0 $0x1  }
0x13: {  	[smem:$0x3FB2] =	sst s0;
	s0 =	simm.s32 @!p1 $0x0  }
0x14: {  	s2 =	sld [smem:$0x3F96];
	s0 =	simm.s32 @p1 $0x1  }
0x15: {  	[smem:$0x3FB3] =	sst s0;
	s0 =	simm.s32 @!p2 $0x0  }
0x16: {  	s3 =	sld [smem:$0x3FDB];
	s0 =	simm.s32 @p2 $0x1  }
0x17: {  	s4 =	simm.s32 $0x1BF5;
	[smem:$0x3FB5] =	sst s0  }
0x18: {  	s0 =	sld [smem:$0x3F98];
	_ =	swait.ge [sflag:s4], $0x0  }
0x19: {  	s7 =	sld [smem:$0x3F99]  }
0x1a: {  	s8 =	sadd.s32 $0xFFFFE003, lr  }
0x1b: {  	s9 =	sadd.s32 $0xFFFFFEF7, lr;
	s5 =	simm.s32 $0xFFFFFFFF;
	p2 =	slt.u32 s8, $0xFFFFF086  }
0x1c: {  	p1 =	slt.u32 s9, $0xF7A;
	s5 =	simm.s32 @!p2 $0x0  }
0x1d: {  	s5 =	simm.s32 @p1 $0x1;
	p0 =	seq.s32 s7, s2  }
0x1e: {  	s7 =	smul.u32 @!p0 $0xF7A, s2;
	p2 =	seq.s32 @!p0 s5, $0x0  }
0x1f: {  	s9 =	smul.u32 $0xF7A, s1;
	s8 =	simm.s32 @!p0 $0x1BF5;
	p2 =	por !p2, p0  }
0x20: {  	[sflag:s8] =	ssyncset.s32 @!p0 $0xFFFFF086;
	s6 =	sadd.s32 @!p0 s3, s7;
	s7 =	simm.s32 @!p0 $0x108  }
0x21: {  	s3 =	sadd.s32 s3, s9;
	s6 =	sadd.s32 @!p0 $0x88, s6;
	s7 =	simm.s32 @p2 $0x1082  }
0x22: {  	[simem:s7], [sflag:s8] =	dma.local @!p0 [hbm:s6], $0xF7A  }
0x23: {  	s9 =	sor.u32 $0xD0000000, s2;
	s6 =	simm.s32 $0x108;
	_ =	swait.ge @!p0 [sflag:s8], $0x0  }
0x24: {  	s3 =	sadd.s32 $0x88, s3;
	s6 =	simm.s32 @!p1 $0x1082;
	[sflag:s4] =	ssyncset.s32 $0xFFFFF086  }
0x25: {  	[simem:s6], [sflag:s4] =	dma.local [hbm:s3], $0xF7A  }
0x26: {  	[smem:$0x3F99] =	sst s1;
	(tag) =	ssettag s2;
	_ =	strace s9  }
0x27: {  	s1 =	sld [smem:$0x3FA9]  }
0x28: {  	s2 =	sld [smem:$0x3FAA]  }
0x29: {  	s4 =	sld [smem:$0x3FAC]  }
0x2a: {  	p0 =	seq.s32 s5, $0x0;
	s5 =	sld [smem:$0x3FAD]  }
0x2b: {  	s6 =	sld [smem:$0x3FAE]  }
0x2c: {  	s7 =	sld [smem:$0x3FAF]  }
0x2d: {  	s3 =	simm.s32 $0x108;
	s8 =	sld [smem:$0x3FB0]  }
0x2e: {  	s3 =	simm.s32 @!p0 $0x1082;
	s9 =	sld [smem:$0x3FB1]  }
0x2f: {  	lr =	sadd.s32 s0, s3;
	s0 =	sld [smem:$0x3FA8]  }
0x30: {  	s3 =	sld [smem:$0x3FAB]  }
0x31: {  	[smem:$0x3FB4] =	sst s10  }
0x32: {  	s10 =	sld [smem:$0x3FB2];
	_ =	sdelay $0x3  }
0x33: {  	p0 =	seq.s32 s10, $0x1;
	s10 =	sld [smem:$0x3FB4];
	_ =	sdelay $0x3  }
0x34: {  	[smem:$0x3FB4] =	sst s10  }
0x35: {  	s10 =	sld [smem:$0x3FB3];
	_ =	sdelay $0x3  }
0x36: {  	p1 =	seq.s32 s10, $0x1;
	s10 =	sld [smem:$0x3FB4];
	_ =	sdelay $0x3  }
0x37: {  	[smem:$0x3FB4] =	sst s10  }
0x38: {  	s10 =	sld [smem:$0x3FB5]  }
0x39: {  	_ = 	snop;
	(pc) =	sbr.ind lr, $3  }
0x3a: {  	_ = 	snop  }
0x3b: {  	_ = 	snop  }
0x3c: {  	p2 =	seq.s32 s10, $0x1;
	s10 =	sld [smem:$0x3FB4]  }
0x3d: {  	_ =	shalt  }
0x3e: {  	_ =	shalt  }
0x3f: {  	_ =	shalt  }
0x40: {  	_ =	shalt  }
0x41: {  	_ =	shalt  }
0x42: {  	_ =	shalt  }
0x43: {  	_ =	shalt  }
0x44: {  	_ =	shalt  }
0x45: {  	_ =	shalt  }
0x46: {  	_ =	shalt  }
0x47: {  	_ =	shalt  }
0x48: {  	_ =	shalt  }
0x49: {  	_ =	shalt  }
0x4a: {  	_ =	shalt  }
0x4b: {  	_ =	shalt  }
0x4c: {  	_ =	shalt  }
0x4d: {  	_ =	shalt  }
0x4e: {  	_ =	shalt  }
0x4f: {  	_ =	shalt  }
0x50: {  	_ =	shalt  }
0x51: {  	_ =	shalt  }
0x52: {  	_ =	shalt  }
0x53: {  	_ =	shalt  }
0x54: {  	_ =	shalt  }
0x55: {  	_ =	shalt  }
0x56: {  	_ =	shalt  }
0x57: {  	_ =	shalt  }
0x58: {  	_ =	shalt  }
0x59: {  	_ =	shalt  }
0x5a: {  	_ =	shalt  }
0x5b: {  	_ =	shalt  }
0x5c: {  	_ =	shalt  }
0x5d: {  	_ =	shalt  }
0x5e: {  	_ =	shalt  }
0x5f: {  	_ =	shalt  }
0x60: {  	_ =	shalt  }
0x61: {  	_ =	shalt  }
0x62: {  	_ =	shalt  }
0x63: {  	_ =	shalt  }
0x64: {  	_ =	shalt  }
0x65: {  	_ =	shalt  }
0x66: {  	_ =	shalt  }
0x67: {  	_ =	shalt  }
0x68: {  	_ =	shalt  }
0x69: {  	_ =	shalt  }
0x6a: {  	_ =	shalt  }
0x6b: {  	_ =	shalt  }
0x6c: {  	_ =	shalt  }
0x6d: {  	_ =	shalt  }
0x6e: {  	_ =	shalt  }
0x6f: {  	_ =	shalt  }
0x70: {  	_ =	shalt  }
0x71: {  	_ =	shalt  }
0x72: {  	_ =	shalt  }
0x73: {  	_ =	shalt  }
0x74: {  	_ =	shalt  }
0x75: {  	_ =	shalt  }
0x76: {  	_ =	shalt  }
0x77: {  	_ =	shalt  }
0x78: {  	_ =	shalt  }
0x79: {  	_ =	shalt  }
0x7a: {  	_ =	shalt  }
0x7b: {  	_ =	shalt  }
0x7c: {  	_ =	shalt  }
0x7d: {  	_ =	shalt  }
0x7e: {  	_ =	shalt  }
0x7f: {  	_ =	shalt  }
0x80: {  	_ =	shalt  }
0x81: {  	_ =	shalt  }
0x82: {  	_ =	shalt  }
0x83: {  	_ =	shalt  }
0x84: {  	_ =	shalt  }
0x85: {  	_ =	shalt  }
0x86: {  	_ =	shalt  }
0x87: {  	_ =	shalt  }
.Lfunc_end0:
.L_simem_size_0:
called_computation_lowered:
.L_overlay_start_0:
0x88: {  	s2 =	sld [smem:$0x3FD9]  }
0x89: {  	s3 =	sld [smem:$0x3FFE];
	_ =	sdelay $0x1  }
0x8a: {  	s1 =	srdreg.scid  }
0x8b: {  	s0 =	sand.u32 $0x1, s1  }
0x8c: {  	s17 =	sshll.u32 s0, $0xA;
	s2 =	sadd.s32 s3, s2  }
0x8d: {  	s2 =	sadd.s32 s2, s17  }
0x8e: {  	[smem:$0x3FC0] =	sst s2  }
0x8f: {  	_ = 	snop  }
0x90: {  	s2 =	sld [smem:$0x3FC9];
	(tm) =	ssettm $0x1  }
0x91: {  	s18 =	sld [smem:$0x3FFB];
	_ =	sdelay $0x3  }
0x92: {  	_ =	strace s18  }
0x93: {  	s3 =	sld [smem:$0x3FFC];
	_ =	sdelay $0x3  }
0x94: {  	_ =	strace s3  }
0x95: {  	s3 =	sld [smem:$0x3FFD];
	_ =	sdelay $0x3  }
0x96: {  	_ =	strace s3  }
0x97: {  	_ =	strace $0x8FFFFFFF  }
0x98: {  	s19 =	sld [smem:$0x3FDB];
	_ =	sdelay $0x1  }
0x99: {  	s4 =	simm.s32 $_scs_section_size  }
0x9a: {  	s5 =	simm.s32 $_size__tile_overlayer_lowered;
	s6 =	simm.s32 $_tile_overlayer_lowered  }
0x9b: {  	s22 =	simm.s32 $0x1BFF;
	s21 =	sshll.u32 s6, $0x1;
	s3 =	sadd.s32 s4, s19  }
0x9c: {  	s7 =	simm.s32 $0x0;
	s20 =	sshll.u32 s5, $0x1;
	s5 =	sadd.s32 s21, s3  }
0x9d: {  	[timem:s7], [sflag:s22] =	dma.local [hbm:s5], s20  }
0x9e: {  	_ =	swait.ge [sflag:s22], s20  }
0x9f: {  	s4 =	ssub.s32 $0x0, s20;
	[sflag:s22] =	ssyncset.done $0x0  }
0xa0: {  	[sflag:s22] =	ssyncadd.s32 s4;
	_ =	sdelay $0x1  }
0xa1: {  	s23 =	simm.s32 $0x1B8B  }
0xa2: {  	_ =	swait.ge [sflag:s23], $0x1  }
0xa3: {  	[sflag:s23] =	ssyncset.done $0x0  }
0xa4: {  	s25 =	simm.s32 $0x1B8E;
	s24 =	sld [smem:$0x3FFE];
	[sflag:s23] =	ssyncadd.s32 $0xFFFFFFFF  }
0xa5: {  	s26 =	simm.s32 $execute0_lowered;
	[smem:$0x3FD2] =	sst s25  }
0xa6: {  	s5 =	sshll.u32 s26, $0x1;
	_ =	strace $0x80000046;
	[dreg:$0x1] =	wrdreg $0xFFFFFFFF  }
0xa7: {  	s28 =	simm.s32 $_size_execute0_lowered;
	s3 =	sadd.s32 s3, s5;
	[dreg:$0x0] =	wrdreg $0x0  }
0xa8: {  	s5 =	sshll.u32 s28, $0x1;
	[dreg:$0x2] =	wrdreg s3  }
0xa9: {  	[dreg:$0x3] =	wrdreg s5  }
0xaa: {  	[dreg:$0x4] =	wrdreg $0xC0  }
0xab: {  	_ =	task [dreg:s7], $0x5FFFF  }
0xac: {  	[dreg:$0x1] =	wrdreg $0xFFFFFFFF  }
0xad: {  	[dreg:$0x0] =	wrdreg $0x60  }
0xae: {  	[dreg:$0x2] =	wrdreg s2  }
0xaf: {  	[dreg:$0x3] =	wrdreg s24  }
0xb0: {  	[dreg:$0x4] =	wrdreg $0x9  }
0xb1: {  	_ =	task.clear_ibuf [dreg:s7], $0x5FFFF;
	_ =	strace $0x90000046  }
0xb2: {  	s29 =	simm.s32 $0x9;
	_ =	strace $0x80000048  }
0xb3: {  	_ =	swait.ge [sflag:s29], $0x1  }
0xb4: {  	[sflag:s29] =	ssyncadd.s32 $0xFFFFFFFF  }
0xb5: {  	_ =	strace $0x90000048  }
0xb6: {  	_ =	sfence  }
0xb7: {  	s30 =	sld [smem:$0x0];
	_ =	sdelay $0x2  }
0xb8: {  	s31 =	sshll.u32 s1, $0xD;
	s1 =	sshrl.u32 s1, $0x2  }
0xb9: {  	s3 =	sand.u32 $0x4000, s31;
	s1 =	sadd.s32 s1, s30  }
0xba: {  	s0 =	sor.u32 s3, s0;
	s1 =	sshll.u32 s1, $0x11  }
0xbb: {  	s0 =	sor.u32 s1, s0  }
0xbc: {  	s0 =	sadd.s32 $0x8F2B, s0  }
0xbd: {  	[sflag:s0] =	ssyncadd.remote.s32 $0x1  }
0xbe: {  	_ =	sfence.sel $0xFFFF  }
0xbf: {  	[dreg:$0x0] =	wrdreg $0xFFFFFFFF;
	(pc) =	sbr.abs _section_cstart, $3  }
0xc0: {  	[dreg:$0x1] =	wrdreg $0xFFFFFFFF  }
0xc1: {  	_ =	task.clear_ibuf [dreg:s7], $0x2FFFF;
	_ =	strace $0x9FFFFFFF  }
0xc2: {  	(tm) =	ssettm $0x7FFFFFFF  }
0xc3: {  	_ =	shalt  }
tec
execute0_lowered:
.L_overlay_start_1:
0x0: {  	(tag) =	ssettag $0x1  }
0x1: {  	s0 =	rddreg [dreg:$0x0]  }
0x2: {  	s1 =	rddreg [dreg:$0x1]  }
0x3: {  	s3 =	srdreg.scid;
	s2 =	simm.s32 $0x0;
	s5 =	stileid.u32  }
0x4: {  	s25 =	simm.s32 $0x10000;
	s9 =	simm.s32 $0x2;
	s26 =	simm.s32 $0x10080  }
0x5: {  	s20 =	simm.s32 $0x1800;
	s21 =	simm.s32 $0x2000;
	s22 =	simm.s32 $0x2800  }
0x6: {  	s23 =	simm.s32 $0x3000;
	s28 =	simm.s32 $0x5000;
	s29 =	simm.s32 $0x5800  }
0x7: {  	s30 =	simm.s32 $0x6000;
	s31 =	simm.s32 $0x6800;
	s10 =	simm.s32 $0x8800  }
0x8: {  	s11 =	simm.s32 $0x9000;
	s12 =	simm.s32 $0x9800;
	s13 =	simm.s32 $0xA000  }
0x9: {  	s14 =	simm.s32 $0xA800;
	s15 =	simm.s32 $0xB000;
	s16 =	simm.s32 $0xB800  }
0xa: {  	s17 =	simm.s32 $0xC000;
	s4 =	sand.u32 $0x1, s3;
	[smem:$0x7FF] =	sst s2  }
0xb: {  	s5 =	sshll.u32 s5, $0x7;
	s3 =	sadd.s32 $0xC00, s1;
	s6 =	sshll.u32 s4, $0x6  }
0xc: {  	_ =	strace $0x80000047;
	s4 =	ssub.s32 $0x2, s4;
	[dreg:$0x5] =	wrdreg s25  }
0xd: {  	[dreg:$0x6] =	wrdreg s26;
	s25 =	simm.s32 $0x4000;
	s5 =	sor.u32 s6, s5  }
0xe: {  	s26 =	simm.s32 $0x4800;
	s7 =	sshrl.u32 s4, $0x1;
	s6 =	sshll.u32 s5, $0x7  }
0xf: {  	s5 =	sshrl.u32 s5, $0x3;
	s4 =	ssub.s32 s4, s7;
	s7 =	sadd.s32 $0xF00, s1  }
0x10: {  	s0 =	sadd.s32 s0, s6;
	s5 =	sadd.s32 s1, s5;
	s6 =	sadd.s32 $0xE00, s1  }
0x11: {  	v2 =	vlaneseq.u32;
	s8 =	smax.u32 s4, $0x1;
	s4 =	simm.s32 $0x8000;
	[dreg:$0x3] =	wrdreg s0  }
0x12: {  	vm0 =	vmmov $0xffff;
	v1 =	vshrl.u32 v2, $0x3;
	[dreg:$0x7] =	wrdreg s5;
	s24 =	sadd.s32 $0x200, s5;
	s5 =	sadd.s32 $0xD00, s1  }
0x13: {  	v0 =	vand.u32 $0x7, v2;
	v2 =	vor.u32 $0x8, v2;
	v1 =	vmul.u32 $0x8, v1;
	s1 =	simm.s32 $0x7800;
	[dreg:$0x4] =	wrdreg s24;
	s24 =	simm.s32 $0x3800  }
.LBB2_1:
0x14: {  	s18 =	rddreg [dreg:$0x3]  }
0x15: {  	[tilespmem:s2], [sflag:$0x2] =	stream.linear.gather [hbm4b:s18+s2], $0x10000, $0x38;
	[tilespmem:$0x10100] =	vst v63  }
0x16: {  	_ =	swait.ge [sflag:s9], $0x10000  }
0x17: {  	s0 =	rddreg [dreg:$0x4];
	[sflag:s9] =	ssyncset.done $0x0  }
0x18: {  	s19 =	rddreg [dreg:$0x5];
	[sflag:s9] =	ssyncadd.s32 $0xFFFF0000  }
0x19: {  	[tilespmem:s19], [sflag:$0x2] =	stream.linear.gather [hbm4b:s0+s2], $0x40, $0x38;
	[tilespmem:$0x10100] =	vst v63  }
0x1a: {  	_ =	swait.ge [sflag:s9], $0x40  }
0x1b: {  	s19 =	rddreg [dreg:$0x6];
	[sflag:s9] =	ssyncset.done $0x0  }
0x1c: {  	s0 =	rddreg [dreg:$0x7];
	[sflag:s9] =	ssyncadd.s32 $0xFFFFFFC0  }
0x1d: {  	[tilespmem:s19], [sflag:$0x2] =	stream.linear.gather [hbm4b:s0+s2], $0x40, $0x38;
	[tilespmem:$0x10100] =	vst v63  }
0x1e: {  	_ =	swait.ge [sflag:s9], $0x40  }
0x1f: {  	[sflag:s9] =	ssyncset.done $0x0  }
0x20: {  	[sflag:s9] =	ssyncadd.s32 $0xFFFFFFC0  }
0x21: {  	v3 =	vld [tilespmem:$0x10000];
	_ =	sdelay $0x4  }
0x22: {  	v4 =	vshll.u32 v3, $0x3  }
0x23: {  	v3 =	vand.u32 $0x7, v3;
	v4 =	vand.u32 $0xFFFFFFC0, v4  }
0x24: {  	v3 =	vor.u32 v3, v4  }
0x25: {  	v4 =	vperm.xlane v3, v0;
	_ =	sdelay $0x1  }
0x26: {  	v4 =	vadd.s32 v1, v4;
	_ =	sdelay $0x4  }
0x27: {  	[hbm4b:s3+s2] =	stream.indirect_vreg.scatter [tilespmem:s2], [sflag:$0x1], $0x80, v4, vm0, $0xb8;
	[tilespmem:$0x10100] =	vst v63  }
0x28: {  	s18 =	simm.s32 $0x800;
	v3 =	vperm.xlane v3, v2  }
0x29: {  	[hbm4b:s5+s2] =	stream.indirect_vreg.scatter [tilespmem:s18], [sflag:$0x1], $0x80, v4, vm0, $0xb8;
	[tilespmem:$0x10100] =	vst v63  }
0x2a: {  	s19 =	simm.s32 $0x1000;
	v3 =	vadd.s32 v1, v3  }
0x2b: {  	[hbm4b:s6+s2] =	stream.indirect_vreg.scatter [tilespmem:s19], [sflag:$0x1], $0x80, v4, vm0, $0xb8;
	[tilespmem:$0x10100] =	vst v63  }
0x2c: {  	_ = 	snop  }
0x2d: {  	[hbm4b:s7+s2] =	stream.indirect_vreg.scatter [tilespmem:s20], [sflag:$0x1], $0x80, v4, vm0, $0xb8;
	[tilespmem:$0x10100] =	vst v63  }
0x2e: {  	_ = 	snop  }
0x2f: {  	[hbm4b:s3+s2] =	stream.indirect_vreg.scatter [tilespmem:s21], [sflag:$0x1], $0x80, v3, vm0, $0xb8;
	[tilespmem:$0x10100] =	vst v63  }
0x30: {  	_ = 	snop  }
0x31: {  	[hbm4b:s5+s2] =	stream.indirect_vreg.scatter [tilespmem:s22], [sflag:$0x1], $0x80, v3, vm0, $0xb8;
	[tilespmem:$0x10100] =	vst v63  }
0x32: {  	_ = 	snop  }
0x33: {  	[hbm4b:s6+s2] =	stream.indirect_vreg.scatter [tilespmem:s23], [sflag:$0x1], $0x80, v3, vm0, $0xb8;
	[tilespmem:$0x10100] =	vst v63  }
0x34: {  	_ = 	snop  }
0x35: {  	[hbm4b:s7+s2] =	stream.indirect_vreg.scatter [tilespmem:s24], [sflag:$0x1], $0x80, v3, vm0, $0xb8;
	[tilespmem:$0x10100] =	vst v63  }
0x36: {  	v3 =	vld [tilespmem:$0x10010];
	_ =	sdelay $0x4  }
0x37: {  	v57 =	vshll.u32 v3, $0x3  }
0x38: {  	v3 =	vand.u32 $0x7, v3;
	v4 =	vand.u32 $0xFFFFFFC0, v57  }
0x39: {  	v3 =	vor.u32 v3, v4  }
0x3a: {  	v4 =	vperm.xlane v3, v0;
	_ =	sdelay $0x1  }
0x3b: {  	v4 =	vadd.s32 v1, v4;
	_ =	sdelay $0x4  }
0x3c: {  	[hbm4b:s3+s2] =	stream.indirect_vreg.scatter [tilespmem:s25], [sflag:$0x1], $0x80, v4, vm0, $0xb8;
	[tilespmem:$0x10100] =	vst v63  }
0x3d: {  	v3 =	vperm.xlane v3, v2  }
0x3e: {  	[hbm4b:s5+s2] =	stream.indirect_vreg.scatter [tilespmem:s26], [sflag:$0x1], $0x80, v4, vm0, $0xb8;
	[tilespmem:$0x10100] =	vst v63  }
0x3f: {  	v3 =	vadd.s32 v1, v3  }
0x40: {  	[hbm4b:s6+s2] =	stream.indirect_vreg.scatter [tilespmem:s28], [sflag:$0x1], $0x80, v4, vm0, $0xb8;
	[tilespmem:$0x10100] =	vst v63  }
0x41: {  	_ = 	snop  }
0x42: {  	[hbm4b:s7+s2] =	stream.indirect_vreg.scatter [tilespmem:s29], [sflag:$0x1], $0x80, v4, vm0, $0xb8;
	[tilespmem:$0x10100] =	vst v63  }
0x43: {  	_ = 	snop  }
0x44: {  	[hbm4b:s3+s2] =	stream.indirect_vreg.scatter [tilespmem:s30], [sflag:$0x1], $0x80, v3, vm0, $0xb8;
	[tilespmem:$0x10100] =	vst v63  }
0x45: {  	_ = 	snop  }
0x46: {  	[hbm4b:s5+s2] =	stream.indirect_vreg.scatter [tilespmem:s31], [sflag:$0x1], $0x80, v3, vm0, $0xb8;
	[tilespmem:$0x10100] =	vst v63  }
0x47: {  	s0 =	simm.s32 $0x7000  }
0x48: {  	[hbm4b:s6+s2] =	stream.indirect_vreg.scatter [tilespmem:s0], [sflag:$0x1], $0x80, v3, vm0, $0xb8;
	[tilespmem:$0x10100] =	vst v63  }
0x49: {  	_ = 	snop  }
0x4a: {  	[hbm4b:s7+s2] =	stream.indirect_vreg.scatter [tilespmem:s1], [sflag:$0x1], $0x80, v3, vm0, $0xb8;
	[tilespmem:$0x10100] =	vst v63  }
0x4b: {  	v3 =	vld [tilespmem:$0x10020];
	_ =	sdelay $0x4  }
0x4c: {  	v58 =	vshll.u32 v3, $0x3  }
0x4d: {  	v3 =	vand.u32 $0x7, v3;
	v4 =	vand.u32 $0xFFFFFFC0, v58  }
0x4e: {  	v3 =	vor.u32 v3, v4  }
0x4f: {  	v4 =	vperm.xlane v3, v0;
	_ =	sdelay $0x1  }
0x50: {  	v4 =	vadd.s32 v1, v4;
	_ =	sdelay $0x4  }
0x51: {  	[hbm4b:s3+s2] =	stream.indirect_vreg.scatter [tilespmem:s4], [sflag:$0x1], $0x80, v4, vm0, $0xb8;
	[tilespmem:$0x10100] =	vst v63  }
0x52: {  	v3 =	vperm.xlane v3, v2  }
0x53: {  	[hbm4b:s5+s2] =	stream.indirect_vreg.scatter [tilespmem:s10], [sflag:$0x1], $0x80, v4, vm0, $0xb8;
	[tilespmem:$0x10100] =	vst v63  }
0x54: {  	v3 =	vadd.s32 v1, v3  }
0x55: {  	[hbm4b:s6+s2] =	stream.indirect_vreg.scatter [tilespmem:s11], [sflag:$0x1], $0x80, v4, vm0, $0xb8;
	[tilespmem:$0x10100] =	vst v63  }
0x56: {  	_ = 	snop  }
0x57: {  	[hbm4b:s7+s2] =	stream.indirect_vreg.scatter [tilespmem:s12], [sflag:$0x1], $0x80, v4, vm0, $0xb8;
	[tilespmem:$0x10100] =	vst v63  }
0x58: {  	_ = 	snop  }
0x59: {  	[hbm4b:s3+s2] =	stream.indirect_vreg.scatter [tilespmem:s13], [sflag:$0x1], $0x80, v3, vm0, $0xb8;
	[tilespmem:$0x10100] =	vst v63  }
0x5a: {  	_ = 	snop  }
0x5b: {  	[hbm4b:s5+s2] =	stream.indirect_vreg.scatter [tilespmem:s14], [sflag:$0x1], $0x80, v3, vm0, $0xb8;
	[tilespmem:$0x10100] =	vst v63  }
0x5c: {  	_ = 	snop  }
0x5d: {  	[hbm4b:s6+s2] =	stream.indirect_vreg.scatter [tilespmem:s15], [sflag:$0x1], $0x80, v3, vm0, $0xb8;
	[tilespmem:$0x10100] =	vst v63  }
0x5e: {  	_ = 	snop  }
0x5f: {  	[hbm4b:s7+s2] =	stream.indirect_vreg.scatter [tilespmem:s16], [sflag:$0x1], $0x80, v3, vm0, $0xb8;
	[tilespmem:$0x10100] =	vst v63  }
0x60: {  	v3 =	vld [tilespmem:$0x10030];
	_ =	sdelay $0x4  }
0x61: {  	v59 =	vshll.u32 v3, $0x3  }
0x62: {  	v3 =	vand.u32 $0x7, v3;
	v4 =	vand.u32 $0xFFFFFFC0, v59  }
0x63: {  	v3 =	vor.u32 v3, v4  }
0x64: {  	v4 =	vperm.xlane v3, v0;
	_ =	sdelay $0x1  }
0x65: {  	v4 =	vadd.s32 v1, v4;
	_ =	sdelay $0x4  }
0x66: {  	[hbm4b:s3+s2] =	stream.indirect_vreg.scatter [tilespmem:s17], [sflag:$0x1], $0x80, v4, vm0, $0xb8;
	[tilespmem:$0x10100] =	vst v63  }
0x67: {  	s0 =	simm.s32 $0xC800;
	v3 =	vperm.xlane v3, v2  }
0x68: {  	[hbm4b:s5+s2] =	stream.indirect_vreg.scatter [tilespmem:s0], [sflag:$0x1], $0x80, v4, vm0, $0xb8;
	[tilespmem:$0x10100] =	vst v63  }
0x69: {  	v3 =	vadd.s32 v1, v3;
	s0 =	simm.s32 $0xD000  }
0x6a: {  	[hbm4b:s6+s2] =	stream.indirect_vreg.scatter [tilespmem:s0], [sflag:$0x1], $0x80, v4, vm0, $0xb8;
	[tilespmem:$0x10100] =	vst v63  }
0x6b: {  	s0 =	simm.s32 $0xD800  }
0x6c: {  	[hbm4b:s7+s2] =	stream.indirect_vreg.scatter [tilespmem:s0], [sflag:$0x1], $0x80, v4, vm0, $0xb8;
	[tilespmem:$0x10100] =	vst v63  }
0x6d: {  	s0 =	simm.s32 $0xE000  }
0x6e: {  	[hbm4b:s3+s2] =	stream.indirect_vreg.scatter [tilespmem:s0], [sflag:$0x1], $0x80, v3, vm0, $0xb8;
	[tilespmem:$0x10100] =	vst v63  }
0x6f: {  	s0 =	simm.s32 $0xE800  }
0x70: {  	[hbm4b:s5+s2] =	stream.indirect_vreg.scatter [tilespmem:s0], [sflag:$0x1], $0x80, v3, vm0, $0xb8;
	[tilespmem:$0x10100] =	vst v63  }
0x71: {  	s0 =	simm.s32 $0xF000  }
0x72: {  	[hbm4b:s6+s2] =	stream.indirect_vreg.scatter [tilespmem:s0], [sflag:$0x1], $0x80, v3, vm0, $0xb8;
	[tilespmem:$0x10100] =	vst v63  }
0x73: {  	s0 =	simm.s32 $0xF800  }
0x74: {  	[hbm4b:s7+s2] =	stream.indirect_vreg.scatter [tilespmem:s0], [sflag:$0x1], $0x80, v3, vm0, $0xb8;
	[tilespmem:$0x10100] =	vst v63  }
0x75: {  	v3 =	vld [tilespmem:$0x10080];
	_ =	sdelay $0x4  }
0x76: {  	v60 =	vshll.u32 v3, $0x3  }
0x77: {  	v3 =	vand.u32 $0x7, v3;
	v4 =	vand.u32 $0xFFFFFFC0, v60  }
0x78: {  	v3 =	vor.u32 v3, v4  }
0x79: {  	v4 =	vperm.xlane v3, v0;
	_ =	sdelay $0x1  }
0x7a: {  	v4 =	vadd.s32 v1, v4;
	_ =	sdelay $0x4  }
0x7b: {  	[hbm4b:s3+s2] =	stream.indirect_vreg.scatter [tilespmem:s2], [sflag:$0x1], $0x80, v4, vm0, $0xb8;
	[tilespmem:$0x10100] =	vst v63  }
0x7c: {  	v3 =	vperm.xlane v3, v2  }
0x7d: {  	[hbm4b:s5+s2] =	stream.indirect_vreg.scatter [tilespmem:s18], [sflag:$0x1], $0x80, v4, vm0, $0xb8;
	[tilespmem:$0x10100] =	vst v63  }
0x7e: {  	v3 =	vadd.s32 v1, v3  }
0x7f: {  	[hbm4b:s6+s2] =	stream.indirect_vreg.scatter [tilespmem:s19], [sflag:$0x1], $0x80, v4, vm0, $0xb8;
	[tilespmem:$0x10100] =	vst v63  }
0x80: {  	_ = 	snop  }
0x81: {  	[hbm4b:s7+s2] =	stream.indirect_vreg.scatter [tilespmem:s20], [sflag:$0x1], $0x80, v4, vm0, $0xb8;
	[tilespmem:$0x10100] =	vst v63  }
0x82: {  	_ = 	snop  }
0x83: {  	[hbm4b:s3+s2] =	stream.indirect_vreg.scatter [tilespmem:s21], [sflag:$0x1], $0x80, v3, vm0, $0xb8;
	[tilespmem:$0x10100] =	vst v63  }
0x84: {  	_ = 	snop  }
0x85: {  	[hbm4b:s5+s2] =	stream.indirect_vreg.scatter [tilespmem:s22], [sflag:$0x1], $0x80, v3, vm0, $0xb8;
	[tilespmem:$0x10100] =	vst v63  }
0x86: {  	_ = 	snop  }
0x87: {  	[hbm4b:s6+s2] =	stream.indirect_vreg.scatter [tilespmem:s23], [sflag:$0x1], $0x80, v3, vm0, $0xb8;
	[tilespmem:$0x10100] =	vst v63  }
0x88: {  	_ = 	snop  }
0x89: {  	[hbm4b:s7+s2] =	stream.indirect_vreg.scatter [tilespmem:s24], [sflag:$0x1], $0x80, v3, vm0, $0xb8;
	[tilespmem:$0x10100] =	vst v63  }
0x8a: {  	v3 =	vld [tilespmem:$0x10090];
	_ =	sdelay $0x4  }
0x8b: {  	v61 =	vshll.u32 v3, $0x3  }
0x8c: {  	v3 =	vand.u32 $0x7, v3;
	v4 =	vand.u32 $0xFFFFFFC0, v61  }
0x8d: {  	v3 =	vor.u32 v3, v4  }
0x8e: {  	v4 =	vperm.xlane v3, v0;
	_ =	sdelay $0x1  }
0x8f: {  	v4 =	vadd.s32 v1, v4;
	_ =	sdelay $0x4  }
0x90: {  	[hbm4b:s3+s2] =	stream.indirect_vreg.scatter [tilespmem:s25], [sflag:$0x1], $0x80, v4, vm0, $0xb8;
	[tilespmem:$0x10100] =	vst v63  }
0x91: {  	v3 =	vperm.xlane v3, v2  }
0x92: {  	[hbm4b:s5+s2] =	stream.indirect_vreg.scatter [tilespmem:s26], [sflag:$0x1], $0x80, v4, vm0, $0xb8;
	[tilespmem:$0x10100] =	vst v63  }
0x93: {  	v3 =	vadd.s32 v1, v3  }
0x94: {  	[hbm4b:s6+s2] =	stream.indirect_vreg.scatter [tilespmem:s28], [sflag:$0x1], $0x80, v4, vm0, $0xb8;
	[tilespmem:$0x10100] =	vst v63  }
0x95: {  	_ = 	snop  }
0x96: {  	[hbm4b:s7+s2] =	stream.indirect_vreg.scatter [tilespmem:s29], [sflag:$0x1], $0x80, v4, vm0, $0xb8;
	[tilespmem:$0x10100] =	vst v63  }
0x97: {  	_ = 	snop  }
0x98: {  	[hbm4b:s3+s2] =	stream.indirect_vreg.scatter [tilespmem:s30], [sflag:$0x1], $0x80, v3, vm0, $0xb8;
	[tilespmem:$0x10100] =	vst v63  }
0x99: {  	_ = 	snop  }
0x9a: {  	[hbm4b:s5+s2] =	stream.indirect_vreg.scatter [tilespmem:s31], [sflag:$0x1], $0x80, v3, vm0, $0xb8;
	[tilespmem:$0x10100] =	vst v63  }
0x9b: {  	s19 =	simm.s32 $0x7000  }
0x9c: {  	[hbm4b:s6+s2] =	stream.indirect_vreg.scatter [tilespmem:s19], [sflag:$0x1], $0x80, v3, vm0, $0xb8;
	[tilespmem:$0x10100] =	vst v63  }
0x9d: {  	_ = 	snop  }
0x9e: {  	[hbm4b:s7+s2] =	stream.indirect_vreg.scatter [tilespmem:s1], [sflag:$0x1], $0x80, v3, vm0, $0xb8;
	[tilespmem:$0x10100] =	vst v63  }
0x9f: {  	v3 =	vld [tilespmem:$0x100A0];
	_ =	sdelay $0x4  }
0xa0: {  	v62 =	vshll.u32 v3, $0x3  }
0xa1: {  	v3 =	vand.u32 $0x7, v3;
	v4 =	vand.u32 $0xFFFFFFC0, v62  }
0xa2: {  	v3 =	vor.u32 v3, v4  }
0xa3: {  	v4 =	vperm.xlane v3, v0;
	_ =	sdelay $0x1  }
0xa4: {  	v4 =	vadd.s32 v1, v4;
	_ =	sdelay $0x4  }
0xa5: {  	[hbm4b:s3+s2] =	stream.indirect_vreg.scatter [tilespmem:s4], [sflag:$0x1], $0x80, v4, vm0, $0xb8;
	[tilespmem:$0x10100] =	vst v63  }
0xa6: {  	v3 =	vperm.xlane v3, v2  }
0xa7: {  	[hbm4b:s5+s2] =	stream.indirect_vreg.scatter [tilespmem:s10], [sflag:$0x1], $0x80, v4, vm0, $0xb8;
	[tilespmem:$0x10100] =	vst v63  }
0xa8: {  	v3 =	vadd.s32 v1, v3  }
0xa9: {  	[hbm4b:s6+s2] =	stream.indirect_vreg.scatter [tilespmem:s11], [sflag:$0x1], $0x80, v4, vm0, $0xb8;
	[tilespmem:$0x10100] =	vst v63  }
0xaa: {  	_ = 	snop  }
0xab: {  	[hbm4b:s7+s2] =	stream.indirect_vreg.scatter [tilespmem:s12], [sflag:$0x1], $0x80, v4, vm0, $0xb8;
	[tilespmem:$0x10100] =	vst v63  }
0xac: {  	_ = 	snop  }
0xad: {  	[hbm4b:s3+s2] =	stream.indirect_vreg.scatter [tilespmem:s13], [sflag:$0x1], $0x80, v3, vm0, $0xb8;
	[tilespmem:$0x10100] =	vst v63  }
0xae: {  	_ = 	snop  }
0xaf: {  	[hbm4b:s5+s2] =	stream.indirect_vreg.scatter [tilespmem:s14], [sflag:$0x1], $0x80, v3, vm0, $0xb8;
	[tilespmem:$0x10100] =	vst v63  }
0xb0: {  	_ = 	snop  }
0xb1: {  	[hbm4b:s6+s2] =	stream.indirect_vreg.scatter [tilespmem:s15], [sflag:$0x1], $0x80, v3, vm0, $0xb8;
	[tilespmem:$0x10100] =	vst v63  }
0xb2: {  	_ = 	snop  }
0xb3: {  	[hbm4b:s7+s2] =	stream.indirect_vreg.scatter [tilespmem:s16], [sflag:$0x1], $0x80, v3, vm0, $0xb8;
	[tilespmem:$0x10100] =	vst v63  }
0xb4: {  	v3 =	vld [tilespmem:$0x100B0];
	_ =	sdelay $0x4  }
0xb5: {  	v63 =	vshll.u32 v3, $0x3  }
0xb6: {  	v3 =	vand.u32 $0x7, v3;
	v4 =	vand.u32 $0xFFFFFFC0, v63  }
0xb7: {  	v3 =	vor.u32 v3, v4  }
0xb8: {  	v4 =	vperm.xlane v3, v0;
	_ =	sdelay $0x1  }
0xb9: {  	v4 =	vadd.s32 v1, v4;
	_ =	sdelay $0x4  }
0xba: {  	[hbm4b:s3+s2] =	stream.indirect_vreg.scatter [tilespmem:s17], [sflag:$0x1], $0x80, v4, vm0, $0xb8;
	[tilespmem:$0x10100] =	vst v63  }
0xbb: {  	s18 =	simm.s32 $0xC800;
	v3 =	vperm.xlane v3, v2  }
0xbc: {  	[hbm4b:s5+s2] =	stream.indirect_vreg.scatter [tilespmem:s18], [sflag:$0x1], $0x80, v4, vm0, $0xb8;
	[tilespmem:$0x10100] =	vst v63  }
0xbd: {  	s19 =	simm.s32 $0xD000;
	v3 =	vadd.s32 v1, v3  }
0xbe: {  	[hbm4b:s6+s2] =	stream.indirect_vreg.scatter [tilespmem:s19], [sflag:$0x1], $0x80, v4, vm0, $0xb8;
	[tilespmem:$0x10100] =	vst v63  }
0xbf: {  	s18 =	simm.s32 $0xD800  }
0xc0: {  	[hbm4b:s7+s2] =	stream.indirect_vreg.scatter [tilespmem:s18], [sflag:$0x1], $0x80, v4, vm0, $0xb8;
	[tilespmem:$0x10100] =	vst v63  }
0xc1: {  	s19 =	simm.s32 $0xE000  }
0xc2: {  	[hbm4b:s3+s2] =	stream.indirect_vreg.scatter [tilespmem:s19], [sflag:$0x1], $0x80, v3, vm0, $0xb8;
	[tilespmem:$0x10100] =	vst v63  }
0xc3: {  	s18 =	simm.s32 $0xE800  }
0xc4: {  	[hbm4b:s5+s2] =	stream.indirect_vreg.scatter [tilespmem:s18], [sflag:$0x1], $0x80, v3, vm0, $0xb8;
	[tilespmem:$0x10100] =	vst v63  }
0xc5: {  	s19 =	simm.s32 $0xF000  }
0xc6: {  	[hbm4b:s6+s2] =	stream.indirect_vreg.scatter [tilespmem:s19], [sflag:$0x1], $0x80, v3, vm0, $0xb8;
	[tilespmem:$0x10100] =	vst v63  }
0xc7: {  	s18 =	simm.s32 $0xF800;
	s19 =	simm.s32 $0x1  }
0xc8: {  	[hbm4b:s7+s2] =	stream.indirect_vreg.scatter [tilespmem:s18], [sflag:$0x1], $0x80, v3, vm0, $0xb8;
	[tilespmem:$0x10100] =	vst v63  }
0xc9: {  	p0 =	sne.s32 s8, $0x1;
	_ =	swait.ge [sflag:s19], $0x10000  }
.Ltmp0:
0xca: {  	[sflag:s19] =	ssyncset.done $0x0;
	(pc) =	sbr.rel @p0 .LBB2_1-.Ltmp0, $4  }
0xcb: {  	[sflag:s19] =	ssyncadd.s32 $0xFFFF0000  }
0xcc: {  	_ =	swait.ge [sflag:s19], $0x10000  }
0xcd: {  	[sflag:s19] =	ssyncset.done $0x0  }
0xce: {  	s8 =	sadd.s32 $0xFFFFFFFF, s8;
	[sflag:s19] =	ssyncadd.s32 $0xFFFF0000  }
0xcf: {  	_ =	sfence.sel $0x180000  }
0xd0: {  	[bflag:$0x0] =	sbarrier.arrive $0xFFFF  }
0xd1: {  	_ =	strace $0x90000047  }
0xd2: {  	s0 =	stileid.u32;
	[bflag:$0x2] =	sbarrier.arrive $0xFFFF  }
0xd3: {  	p0 =	sne.s32 s0, $0x0;
	s0 =	rddreg [dreg:$0x2]  }
0xd4: {  	s0 =	sadd.s32 @!p0 $0x100000, s0  }
0xd5: {  	[sflag:s0] =	ssyncadd.tile.s32 @!p0 $0x1;
	_ =	shalt  }
.Lfunc_end2:
_tile_overlayer_lowered:
.L_overlay_start_2:
0xd6: {  	(tag) =	ssettag $0x2  }
0xd7: {  	s0 =	rddreg [dreg:$0x0];
	s2 =	stileid.u32  }
0xd8: {  	s1 =	rddreg [dreg:$0x1];
	p0 =	sne.s32 s2, $0x0  }
0xd9: {  	s3 =	rddreg [dreg:$0x2];
	[bflag:$0x3] =	sbarrier.arrive $0xFFFF;
	s2 =	simm.s32 @!p0 $0x1C02  }
0xda: {  	[timem:s3], [sflag:s2] =	dma.local @!p0 [hbm:s0], s1  }
0xdb: {  	s0 =	simm.s32 @!p0 $0x2  }
0xdc: {  	_ =	swait.ge @!p0 [sflag:s0], s1  }
0xdd: {  	s1 =	ssub.s32 @!p0 $0x0, s1;
	[sflag:s0] =	ssyncset.done @!p0 $0x0  }
0xde: {  	[sflag:s0] =	ssyncadd.s32 @!p0 s1  }
0xdf: {  	[bflag:$0x3] =	sbarrier.arrive $0xFFFF  }
0xe0: {  	_ =	shalt  }

// kernel: sc_gather_combine.3.cloned.1.call-start
scs
__scs_entry_jumppad:
0x0: {  	(pc) =	sbr.rel $0x88, $3  }
0x1: {  	(tag) =	ssettag $0x0;
	lr =	simm.s32 $0x1  }
0x2: {  	[smem:$0x3F99] =	sst lr;
	_ =	strace $0xD0000000  }
0x3: {  	_ = 	snop  }
0x4: {  	_ = 	snop  }
0x5: {  	_ = 	snop  }
0x6: {  	_ = 	snop  }
0x7: {  	_ = 	snop  }
__scs_overlays_trampoline_lowered:
0x8: {  	[smem:$0x3FA8] =	sst s0  }
0x9: {  	[smem:$0x3FA9] =	sst s1  }
0xa: {  	[smem:$0x3FAA] =	sst s2  }
0xb: {  	[smem:$0x3FAB] =	sst s3  }
0xc: {  	[smem:$0x3FAC] =	sst s4  }
0xd: {  	[smem:$0x3FAD] =	sst s5  }
0xe: {  	[smem:$0x3FAE] =	sst s6  }
0xf: {  	[smem:$0x3FAF] =	sst s7  }
0x10: {  	[smem:$0x3FB0] =	sst s8  }
0x11: {  	[smem:$0x3FB1] =	sst s9;
	s0 =	simm.s32 @!p0 $0x0  }
0x12: {  	s1 =	sld [smem:$0x3F97];
	s0 =	simm.s32 @p0 $0x1  }
0x13: {  	[smem:$0x3FB2] =	sst s0;
	s0 =	simm.s32 @!p1 $0x0  }
0x14: {  	s2 =	sld [smem:$0x3F96];
	s0 =	simm.s32 @p1 $0x1  }
0x15: {  	[smem:$0x3FB3] =	sst s0;
	s0 =	simm.s32 @!p2 $0x0  }
0x16: {  	s3 =	sld [smem:$0x3FDB];
	s0 =	simm.s32 @p2 $0x1  }
0x17: {  	s4 =	simm.s32 $0x1BF5;
	[smem:$0x3FB5] =	sst s0  }
0x18: {  	s0 =	sld [smem:$0x3F98];
	_ =	swait.ge [sflag:s4], $0x0  }
0x19: {  	s7 =	sld [smem:$0x3F99]  }
0x1a: {  	s8 =	sadd.s32 $0xFFFFE003, lr  }
0x1b: {  	s9 =	sadd.s32 $0xFFFFFEF7, lr;
	s5 =	simm.s32 $0xFFFFFFFF;
	p2 =	slt.u32 s8, $0xFFFFF086  }
0x1c: {  	p1 =	slt.u32 s9, $0xF7A;
	s5 =	simm.s32 @!p2 $0x0  }
0x1d: {  	s5 =	simm.s32 @p1 $0x1;
	p0 =	seq.s32 s7, s2  }
0x1e: {  	s7 =	smul.u32 @!p0 $0xF7A, s2;
	p2 =	seq.s32 @!p0 s5, $0x0  }
0x1f: {  	s9 =	smul.u32 $0xF7A, s1;
	s8 =	simm.s32 @!p0 $0x1BF5;
	p2 =	por !p2, p0  }
0x20: {  	[sflag:s8] =	ssyncset.s32 @!p0 $0xFFFFF086;
	s6 =	sadd.s32 @!p0 s3, s7;
	s7 =	simm.s32 @!p0 $0x108  }
0x21: {  	s3 =	sadd.s32 s3, s9;
	s6 =	sadd.s32 @!p0 $0x88, s6;
	s7 =	simm.s32 @p2 $0x1082  }
0x22: {  	[simem:s7], [sflag:s8] =	dma.local @!p0 [hbm:s6], $0xF7A  }
0x23: {  	s9 =	sor.u32 $0xD0000000, s2;
	s6 =	simm.s32 $0x108;
	_ =	swait.ge @!p0 [sflag:s8], $0x0  }
0x24: {  	s3 =	sadd.s32 $0x88, s3;
	s6 =	simm.s32 @!p1 $0x1082;
	[sflag:s4] =	ssyncset.s32 $0xFFFFF086  }
0x25: {  	[simem:s6], [sflag:s4] =	dma.local [hbm:s3], $0xF7A  }
0x26: {  	[smem:$0x3F99] =	sst s1;
	(tag) =	ssettag s2;
	_ =	strace s9  }
0x27: {  	s1 =	sld [smem:$0x3FA9]  }
0x28: {  	s2 =	sld [smem:$0x3FAA]  }
0x29: {  	s4 =	sld [smem:$0x3FAC]  }
0x2a: {  	p0 =	seq.s32 s5, $0x0;
	s5 =	sld [smem:$0x3FAD]  }
0x2b: {  	s6 =	sld [smem:$0x3FAE]  }
0x2c: {  	s7 =	sld [smem:$0x3FAF]  }
0x2d: {  	s3 =	simm.s32 $0x108;
	s8 =	sld [smem:$0x3FB0]  }
0x2e: {  	s3 =	simm.s32 @!p0 $0x1082;
	s9 =	sld [smem:$0x3FB1]  }
0x2f: {  	lr =	sadd.s32 s0, s3;
	s0 =	sld [smem:$0x3FA8]  }
0x30: {  	s3 =	sld [smem:$0x3FAB]  }
0x31: {  	[smem:$0x3FB4] =	sst s10  }
0x32: {  	s10 =	sld [smem:$0x3FB2];
	_ =	sdelay $0x3  }
0x33: {  	p0 =	seq.s32 s10, $0x1;
	s10 =	sld [smem:$0x3FB4];
	_ =	sdelay $0x3  }
0x34: {  	[smem:$0x3FB4] =	sst s10  }
0x35: {  	s10 =	sld [smem:$0x3FB3];
	_ =	sdelay $0x3  }
0x36: {  	p1 =	seq.s32 s10, $0x1;
	s10 =	sld [smem:$0x3FB4];
	_ =	sdelay $0x3  }
0x37: {  	[smem:$0x3FB4] =	sst s10  }
0x38: {  	s10 =	sld [smem:$0x3FB5]  }
0x39: {  	_ = 	snop;
	(pc) =	sbr.ind lr, $3  }
0x3a: {  	_ = 	snop  }
0x3b: {  	_ = 	snop  }
0x3c: {  	p2 =	seq.s32 s10, $0x1;
	s10 =	sld [smem:$0x3FB4]  }
0x3d: {  	_ =	shalt  }
0x3e: {  	_ =	shalt  }
0x3f: {  	_ =	shalt  }
0x40: {  	_ =	shalt  }
0x41: {  	_ =	shalt  }
0x42: {  	_ =	shalt  }
0x43: {  	_ =	shalt  }
0x44: {  	_ =	shalt  }
0x45: {  	_ =	shalt  }
0x46: {  	_ =	shalt  }
0x47: {  	_ =	shalt  }
0x48: {  	_ =	shalt  }
0x49: {  	_ =	shalt  }
0x4a: {  	_ =	shalt  }
0x4b: {  	_ =	shalt  }
0x4c: {  	_ =	shalt  }
0x4d: {  	_ =	shalt  }
0x4e: {  	_ =	shalt  }
0x4f: {  	_ =	shalt  }
0x50: {  	_ =	shalt  }
0x51: {  	_ =	shalt  }
0x52: {  	_ =	shalt  }
0x53: {  	_ =	shalt  }
0x54: {  	_ =	shalt  }
0x55: {  	_ =	shalt  }
0x56: {  	_ =	shalt  }
0x57: {  	_ =	shalt  }
0x58: {  	_ =	shalt  }
0x59: {  	_ =	shalt  }
0x5a: {  	_ =	shalt  }
0x5b: {  	_ =	shalt  }
0x5c: {  	_ =	shalt  }
0x5d: {  	_ =	shalt  }
0x5e: {  	_ =	shalt  }
0x5f: {  	_ =	shalt  }
0x60: {  	_ =	shalt  }
0x61: {  	_ =	shalt  }
0x62: {  	_ =	shalt  }
0x63: {  	_ =	shalt  }
0x64: {  	_ =	shalt  }
0x65: {  	_ =	shalt  }
0x66: {  	_ =	shalt  }
0x67: {  	_ =	shalt  }
0x68: {  	_ =	shalt  }
0x69: {  	_ =	shalt  }
0x6a: {  	_ =	shalt  }
0x6b: {  	_ =	shalt  }
0x6c: {  	_ =	shalt  }
0x6d: {  	_ =	shalt  }
0x6e: {  	_ =	shalt  }
0x6f: {  	_ =	shalt  }
0x70: {  	_ =	shalt  }
0x71: {  	_ =	shalt  }
0x72: {  	_ =	shalt  }
0x73: {  	_ =	shalt  }
0x74: {  	_ =	shalt  }
0x75: {  	_ =	shalt  }
0x76: {  	_ =	shalt  }
0x77: {  	_ =	shalt  }
0x78: {  	_ =	shalt  }
0x79: {  	_ =	shalt  }
0x7a: {  	_ =	shalt  }
0x7b: {  	_ =	shalt  }
0x7c: {  	_ =	shalt  }
0x7d: {  	_ =	shalt  }
0x7e: {  	_ =	shalt  }
0x7f: {  	_ =	shalt  }
0x80: {  	_ =	shalt  }
0x81: {  	_ =	shalt  }
0x82: {  	_ =	shalt  }
0x83: {  	_ =	shalt  }
0x84: {  	_ =	shalt  }
0x85: {  	_ =	shalt  }
0x86: {  	_ =	shalt  }
0x87: {  	_ =	shalt  }
.Lfunc_end0:
.L_simem_size_0:
called_computation.1_lowered:
.L_overlay_start_0:
0x88: {  	s2 =	sld [smem:$0x3FD9]  }
0x89: {  	s3 =	sld [smem:$0x3FFE];
	_ =	sdelay $0x1  }
0x8a: {  	s1 =	srdreg.scid  }
0x8b: {  	s0 =	sand.u32 $0x1, s1  }
0x8c: {  	s17 =	sshll.u32 s0, $0xA;
	s2 =	sadd.s32 s3, s2  }
0x8d: {  	s2 =	sadd.s32 s2, s17  }
0x8e: {  	[smem:$0x3FC0] =	sst s2  }
0x8f: {  	_ = 	snop  }
0x90: {  	s2 =	sld [smem:$0x3FD0];
	(tm) =	ssettm $0x1  }
0x91: {  	s18 =	sld [smem:$0x3FFB];
	_ =	sdelay $0x3  }
0x92: {  	_ =	strace s18  }
0x93: {  	s3 =	sld [smem:$0x3FFC];
	_ =	sdelay $0x3  }
0x94: {  	_ =	strace s3  }
0x95: {  	s3 =	sld [smem:$0x3FFD];
	_ =	sdelay $0x3  }
0x96: {  	_ =	strace s3  }
0x97: {  	_ =	strace $0x8FFFFFFF  }
0x98: {  	s19 =	sld [smem:$0x3FDB];
	_ =	sdelay $0x1  }
0x99: {  	s4 =	simm.s32 $_scs_section_size  }
0x9a: {  	s5 =	simm.s32 $_size__tile_overlayer_lowered;
	s6 =	simm.s32 $_tile_overlayer_lowered  }
0x9b: {  	s22 =	simm.s32 $0x1BFF;
	s21 =	sshll.u32 s6, $0x1;
	s3 =	sadd.s32 s4, s19  }
0x9c: {  	s7 =	simm.s32 $0x0;
	s20 =	sshll.u32 s5, $0x1;
	s5 =	sadd.s32 s21, s3  }
0x9d: {  	[timem:s7], [sflag:s22] =	dma.local [hbm:s5], s20  }
0x9e: {  	_ =	swait.ge [sflag:s22], s20  }
0x9f: {  	s4 =	ssub.s32 $0x0, s20;
	[sflag:s22] =	ssyncset.done $0x0  }
0xa0: {  	[sflag:s22] =	ssyncadd.s32 s4;
	_ =	sdelay $0x1  }
0xa1: {  	s23 =	simm.s32 $0x1B8B  }
0xa2: {  	_ =	swait.ge [sflag:s23], $0x1  }
0xa3: {  	[sflag:s23] =	ssyncset.done $0x0  }
0xa4: {  	s25 =	simm.s32 $0x1B8E;
	s24 =	sld [smem:$0x3FFE];
	[sflag:s23] =	ssyncadd.s32 $0xFFFFFFFF  }
0xa5: {  	s26 =	simm.s32 $execute0_lowered;
	[smem:$0x3FD2] =	sst s25  }
0xa6: {  	s5 =	sshll.u32 s26, $0x1;
	_ =	strace $0x80000049;
	[dreg:$0x1] =	wrdreg $0xFFFFFFFF  }
0xa7: {  	s28 =	simm.s32 $_size_execute0_lowered;
	s3 =	sadd.s32 s3, s5;
	[dreg:$0x0] =	wrdreg $0x0  }
0xa8: {  	s5 =	sshll.u32 s28, $0x1;
	[dreg:$0x2] =	wrdreg s3  }
0xa9: {  	[dreg:$0x3] =	wrdreg s5  }
0xaa: {  	[dreg:$0x4] =	wrdreg $0xC0  }
0xab: {  	_ =	task [dreg:s7], $0x5FFFF  }
0xac: {  	[dreg:$0x1] =	wrdreg $0xFFFFFFFF  }
0xad: {  	[dreg:$0x0] =	wrdreg $0x60  }
0xae: {  	[dreg:$0x2] =	wrdreg s24  }
0xaf: {  	[dreg:$0x3] =	wrdreg s2  }
0xb0: {  	[dreg:$0x4] =	wrdreg $0x9  }
0xb1: {  	_ =	task.clear_ibuf [dreg:s7], $0x5FFFF;
	_ =	strace $0x90000049  }
0xb2: {  	s29 =	simm.s32 $0x9;
	_ =	strace $0x8000004B  }
0xb3: {  	_ =	swait.ge [sflag:s29], $0x1  }
0xb4: {  	[sflag:s29] =	ssyncadd.s32 $0xFFFFFFFF  }
0xb5: {  	_ =	strace $0x9000004B  }
0xb6: {  	_ =	sfence  }
0xb7: {  	s30 =	sld [smem:$0x0];
	_ =	sdelay $0x2  }
0xb8: {  	s31 =	sshll.u32 s1, $0xD;
	s1 =	sshrl.u32 s1, $0x2  }
0xb9: {  	s3 =	sand.u32 $0x4000, s31;
	s1 =	sadd.s32 s1, s30  }
0xba: {  	s0 =	sor.u32 s3, s0;
	s1 =	sshll.u32 s1, $0x11  }
0xbb: {  	s0 =	sor.u32 s1, s0  }
0xbc: {  	s0 =	sadd.s32 $0x8F2B, s0  }
0xbd: {  	[sflag:s0] =	ssyncadd.remote.s32 $0x1  }
0xbe: {  	_ =	sfence.sel $0xFFFF  }
0xbf: {  	[dreg:$0x0] =	wrdreg $0xFFFFFFFF;
	(pc) =	sbr.abs _section_cstart, $3  }
0xc0: {  	[dreg:$0x1] =	wrdreg $0xFFFFFFFF  }
0xc1: {  	_ =	task.clear_ibuf [dreg:s7], $0x2FFFF;
	_ =	strace $0x9FFFFFFF  }
0xc2: {  	(tm) =	ssettm $0x7FFFFFFF  }
0xc3: {  	_ =	shalt  }
tec
execute0_lowered:
.L_overlay_start_1:
0x0: {  	(tag) =	ssettag $0x1  }
0x1: {  	s0 =	rddreg [dreg:$0x0]  }
0x2: {  	s1 =	rddreg [dreg:$0x1];
	s3 =	srdreg.scid  }
0x3: {  	s2 =	simm.s32 $0x0;
	s5 =	stileid.u32;
	s9 =	simm.s32 $0x3  }
0x4: {  	s10 =	simm.s32 $0x1;
	s28 =	simm.s32 $0x2880;
	s29 =	simm.s32 $0x3080  }
0x5: {  	s30 =	simm.s32 $0x3880;
	s31 =	simm.s32 $0x4080;
	s11 =	simm.s32 $0x5880  }
0x6: {  	s12 =	simm.s32 $0x6080;
	s13 =	simm.s32 $0x6880;
	s14 =	simm.s32 $0x7080  }
0x7: {  	s15 =	simm.s32 $0x7880;
	s16 =	simm.s32 $0x8880;
	s17 =	simm.s32 $0x9080  }
0x8: {  	s18 =	simm.s32 $0x9880;
	s19 =	simm.s32 $0xA080;
	s4 =	sand.u32 $0x1, s3  }
0x9: {  	[smem:$0x7FF] =	sst s2;
	s20 =	sshll.u32 s5, $0x8;
	s3 =	sadd.s32 $0x100C00, s0  }
0xa: {  	s7 =	sadd.s32 $0x100F00, s0;
	s21 =	sshll.u32 s4, $0x7;
	s4 =	ssub.s32 $0x2, s4  }
0xb: {  	_ =	strace $0x8000004A;
	s5 =	sor.u32 s21, s20;
	s23 =	sshrl.u32 s4, $0x1  }
0xc: {  	s20 =	simm.s32 $0x2;
	s6 =	sshrl.u32 s5, $0x3;
	s5 =	sshll.u32 s5, $0x7  }
0xd: {  	s4 =	ssub.s32 s4, s23;
	s23 =	simm.s32 $0x1080;
	s1 =	sadd.s32 s1, s6  }
0xe: {  	s22 =	sadd.s32 s0, s5;
	s5 =	sadd.s32 $0x100D00, s0;
	[dreg:$0x3] =	wrdreg s1  }
0xf: {  	s6 =	sadd.s32 $0x100E00, s0;
	s24 =	sadd.s32 $0x1000, s22;
	[dreg:$0x7] =	wrdreg s22  }
0x10: {  	s8 =	smax.u32 s4, $0x1;
	s25 =	sadd.s32 $0x2000, s22;
	[dreg:$0x4] =	wrdreg s24  }
0x11: {  	v2 =	vlaneseq.u32;
	s4 =	simm.s32 $0x8080;
	s26 =	sadd.s32 $0x3000, s22;
	[dreg:$0x5] =	wrdreg s25  }
0x12: {  	vm0 =	vmmov $0xffff;
	v1 =	vshrl.u32 v2, $0x3;
	s22 =	simm.s32 $0x880;
	s1 =	simm.s32 $0x5080;
	[dreg:$0x6] =	wrdreg s26  }
0x13: {  	v0 =	vand.u32 $0x7, v2;
	v2 =	vor.u32 $0x8, v2;
	v1 =	vmul.u32 $0x8, v1;
	s26 =	simm.s32 $0x80;
	s24 =	simm.s32 $0x1880;
	s25 =	simm.s32 $0x2080  }
.LBB2_1:
0x14: {  	s21 =	rddreg [dreg:$0x3]  }
0x15: {  	[tilespmem:s2], [sflag:$0x3] =	stream.linear.gather [hbm4b:s21+s2], $0x80, $0x38;
	[tilespmem:$0x10080] =	vst v63  }
0x16: {  	_ =	swait.ge [sflag:s9], $0x80  }
0x17: {  	[sflag:s9] =	ssyncset.done $0x0  }
0x18: {  	[sflag:s9] =	ssyncadd.s32 $0xFFFFFF80  }
0x19: {  	v3 =	vld [tilespmem:$0x0];
	_ =	sdelay $0x4  }
0x1a: {  	v4 =	vshll.u32 v3, $0x3  }
0x1b: {  	v3 =	vand.u32 $0x7, v3;
	v4 =	vand.u32 $0xFFFFFFC0, v4  }
0x1c: {  	v3 =	vor.u32 v3, v4  }
0x1d: {  	v4 =	vperm.xlane v3, v0;
	_ =	sdelay $0x1  }
0x1e: {  	v4 =	vadd.s32 v1, v4;
	_ =	sdelay $0x4  }
0x1f: {  	[tilespmem:s26], [sflag:$0x1] =	stream.indirect_vreg.gather [hbm4b:s3+s2], $0x80, v4, vm0, $0xb8;
	[tilespmem:$0x10080] =	vst v63  }
0x20: {  	v3 =	vperm.xlane v3, v2  }
0x21: {  	[tilespmem:s22], [sflag:$0x1] =	stream.indirect_vreg.gather [hbm4b:s5+s2], $0x80, v4, vm0, $0xb8;
	[tilespmem:$0x10080] =	vst v63  }
0x22: {  	v3 =	vadd.s32 v1, v3  }
0x23: {  	[tilespmem:s23], [sflag:$0x1] =	stream.indirect_vreg.gather [hbm4b:s6+s2], $0x80, v4, vm0, $0xb8;
	[tilespmem:$0x10080] =	vst v63  }
0x24: {  	_ = 	snop  }
0x25: {  	[tilespmem:s24], [sflag:$0x1] =	stream.indirect_vreg.gather [hbm4b:s7+s2], $0x80, v4, vm0, $0xb8;
	[tilespmem:$0x10080] =	vst v63  }
0x26: {  	_ = 	snop  }
0x27: {  	[tilespmem:s25], [sflag:$0x1] =	stream.indirect_vreg.gather [hbm4b:s3+s2], $0x80, v3, vm0, $0xb8;
	[tilespmem:$0x10080] =	vst v63  }
0x28: {  	_ = 	snop  }
0x29: {  	[tilespmem:s28], [sflag:$0x1] =	stream.indirect_vreg.gather [hbm4b:s5+s2], $0x80, v3, vm0, $0xb8;
	[tilespmem:$0x10080] =	vst v63  }
0x2a: {  	_ = 	snop  }
0x2b: {  	[tilespmem:s29], [sflag:$0x1] =	stream.indirect_vreg.gather [hbm4b:s6+s2], $0x80, v3, vm0, $0xb8;
	[tilespmem:$0x10080] =	vst v63  }
0x2c: {  	_ = 	snop  }
0x2d: {  	[tilespmem:s30], [sflag:$0x1] =	stream.indirect_vreg.gather [hbm4b:s7+s2], $0x80, v3, vm0, $0xb8;
	[tilespmem:$0x10080] =	vst v63  }
0x2e: {  	v3 =	vld [tilespmem:$0x10];
	_ =	sdelay $0x4  }
0x2f: {  	v57 =	vshll.u32 v3, $0x3  }
0x30: {  	v3 =	vand.u32 $0x7, v3;
	v4 =	vand.u32 $0xFFFFFFC0, v57  }
0x31: {  	v3 =	vor.u32 v3, v4  }
0x32: {  	v4 =	vperm.xlane v3, v0;
	_ =	sdelay $0x1  }
0x33: {  	v4 =	vadd.s32 v1, v4;
	_ =	sdelay $0x4  }
0x34: {  	[tilespmem:s31], [sflag:$0x1] =	stream.indirect_vreg.gather [hbm4b:s3+s2], $0x80, v4, vm0, $0xb8;
	[tilespmem:$0x10080] =	vst v63  }
0x35: {  	s0 =	simm.s32 $0x4880;
	v3 =	vperm.xlane v3, v2  }
0x36: {  	[tilespmem:s0], [sflag:$0x1] =	stream.indirect_vreg.gather [hbm4b:s5+s2], $0x80, v4, vm0, $0xb8;
	[tilespmem:$0x10080] =	vst v63  }
0x37: {  	v3 =	vadd.s32 v1, v3  }
0x38: {  	[tilespmem:s1], [sflag:$0x1] =	stream.indirect_vreg.gather [hbm4b:s6+s2], $0x80, v4, vm0, $0xb8;
	[tilespmem:$0x10080] =	vst v63  }
0x39: {  	_ = 	snop  }
0x3a: {  	[tilespmem:s11], [sflag:$0x1] =	stream.indirect_vreg.gather [hbm4b:s7+s2], $0x80, v4, vm0, $0xb8;
	[tilespmem:$0x10080] =	vst v63  }
0x3b: {  	_ = 	snop  }
0x3c: {  	[tilespmem:s12], [sflag:$0x1] =	stream.indirect_vreg.gather [hbm4b:s3+s2], $0x80, v3, vm0, $0xb8;
	[tilespmem:$0x10080] =	vst v63  }
0x3d: {  	_ = 	snop  }
0x3e: {  	[tilespmem:s13], [sflag:$0x1] =	stream.indirect_vreg.gather [hbm4b:s5+s2], $0x80, v3, vm0, $0xb8;
	[tilespmem:$0x10080] =	vst v63  }
0x3f: {  	_ = 	snop  }
0x40: {  	[tilespmem:s14], [sflag:$0x1] =	stream.indirect_vreg.gather [hbm4b:s6+s2], $0x80, v3, vm0, $0xb8;
	[tilespmem:$0x10080] =	vst v63  }
0x41: {  	_ = 	snop  }
0x42: {  	[tilespmem:s15], [sflag:$0x1] =	stream.indirect_vreg.gather [hbm4b:s7+s2], $0x80, v3, vm0, $0xb8;
	[tilespmem:$0x10080] =	vst v63  }
0x43: {  	v3 =	vld [tilespmem:$0x20];
	_ =	sdelay $0x4  }
0x44: {  	v58 =	vshll.u32 v3, $0x3  }
0x45: {  	v3 =	vand.u32 $0x7, v3;
	v4 =	vand.u32 $0xFFFFFFC0, v58  }
0x46: {  	v3 =	vor.u32 v3, v4  }
0x47: {  	v4 =	vperm.xlane v3, v0;
	_ =	sdelay $0x1  }
0x48: {  	v4 =	vadd.s32 v1, v4;
	_ =	sdelay $0x4  }
0x49: {  	[tilespmem:s4], [sflag:$0x2] =	stream.indirect_vreg.gather [hbm4b:s3+s2], $0x80, v4, vm0, $0xb8;
	[tilespmem:$0x10080] =	vst v63  }
0x4a: {  	v3 =	vperm.xlane v3, v2  }
0x4b: {  	[tilespmem:s16], [sflag:$0x2] =	stream.indirect_vreg.gather [hbm4b:s5+s2], $0x80, v4, vm0, $0xb8;
	[tilespmem:$0x10080] =	vst v63  }
0x4c: {  	v3 =	vadd.s32 v1, v3  }
0x4d: {  	[tilespmem:s17], [sflag:$0x2] =	stream.indirect_vreg.gather [hbm4b:s6+s2], $0x80, v4, vm0, $0xb8;
	[tilespmem:$0x10080] =	vst v63  }
0x4e: {  	_ = 	snop  }
0x4f: {  	[tilespmem:s18], [sflag:$0x2] =	stream.indirect_vreg.gather [hbm4b:s7+s2], $0x80, v4, vm0, $0xb8;
	[tilespmem:$0x10080] =	vst v63  }
0x50: {  	_ = 	snop  }
0x51: {  	[tilespmem:s19], [sflag:$0x2] =	stream.indirect_vreg.gather [hbm4b:s3+s2], $0x80, v3, vm0, $0xb8;
	[tilespmem:$0x10080] =	vst v63  }
0x52: {  	s21 =	simm.s32 $0xA880  }
0x53: {  	[tilespmem:s21], [sflag:$0x2] =	stream.indirect_vreg.gather [hbm4b:s5+s2], $0x80, v3, vm0, $0xb8;
	[tilespmem:$0x10080] =	vst v63  }
0x54: {  	s21 =	simm.s32 $0xB080  }
0x55: {  	[tilespmem:s21], [sflag:$0x2] =	stream.indirect_vreg.gather [hbm4b:s6+s2], $0x80, v3, vm0, $0xb8;
	[tilespmem:$0x10080] =	vst v63  }
0x56: {  	s21 =	simm.s32 $0xB880  }
0x57: {  	[tilespmem:s21], [sflag:$0x2] =	stream.indirect_vreg.gather [hbm4b:s7+s2], $0x80, v3, vm0, $0xb8;
	[tilespmem:$0x10080] =	vst v63  }
0x58: {  	v3 =	vld [tilespmem:$0x30];
	_ =	sdelay $0x4  }
0x59: {  	v59 =	vshll.u32 v3, $0x3  }
0x5a: {  	v3 =	vand.u32 $0x7, v3;
	v4 =	vand.u32 $0xFFFFFFC0, v59  }
0x5b: {  	v3 =	vor.u32 v3, v4  }
0x5c: {  	v4 =	vperm.xlane v3, v0;
	_ =	sdelay $0x1  }
0x5d: {  	v4 =	vadd.s32 v1, v4;
	_ =	sdelay $0x3  }
0x5e: {  	s21 =	simm.s32 $0xC080  }
0x5f: {  	[tilespmem:s21], [sflag:$0x2] =	stream.indirect_vreg.gather [hbm4b:s3+s2], $0x80, v4, vm0, $0xb8;
	[tilespmem:$0x10080] =	vst v63  }
0x60: {  	v3 =	vperm.xlane v3, v2;
	s21 =	simm.s32 $0xC880  }
0x61: {  	[tilespmem:s21], [sflag:$0x2] =	stream.indirect_vreg.gather [hbm4b:s5+s2], $0x80, v4, vm0, $0xb8;
	[tilespmem:$0x10080] =	vst v63  }
0x62: {  	v3 =	vadd.s32 v1, v3;
	s21 =	simm.s32 $0xD080  }
0x63: {  	[tilespmem:s21], [sflag:$0x2] =	stream.indirect_vreg.gather [hbm4b:s6+s2], $0x80, v4, vm0, $0xb8;
	[tilespmem:$0x10080] =	vst v63  }
0x64: {  	s21 =	simm.s32 $0xD880  }
0x65: {  	[tilespmem:s21], [sflag:$0x2] =	stream.indirect_vreg.gather [hbm4b:s7+s2], $0x80, v4, vm0, $0xb8;
	[tilespmem:$0x10080] =	vst v63  }
0x66: {  	s21 =	simm.s32 $0xE080  }
0x67: {  	[tilespmem:s21], [sflag:$0x2] =	stream.indirect_vreg.gather [hbm4b:s3+s2], $0x80, v3, vm0, $0xb8;
	[tilespmem:$0x10080] =	vst v63  }
0x68: {  	s21 =	simm.s32 $0xE880  }
0x69: {  	[tilespmem:s21], [sflag:$0x2] =	stream.indirect_vreg.gather [hbm4b:s5+s2], $0x80, v3, vm0, $0xb8;
	[tilespmem:$0x10080] =	vst v63  }
0x6a: {  	s21 =	simm.s32 $0xF080  }
0x6b: {  	[tilespmem:s21], [sflag:$0x2] =	stream.indirect_vreg.gather [hbm4b:s6+s2], $0x80, v3, vm0, $0xb8;
	[tilespmem:$0x10080] =	vst v63  }
0x6c: {  	s21 =	simm.s32 $0xF880  }
0x6d: {  	[tilespmem:s21], [sflag:$0x2] =	stream.indirect_vreg.gather [hbm4b:s7+s2], $0x80, v3, vm0, $0xb8;
	[tilespmem:$0x10080] =	vst v63  }
0x6e: {  	_ =	swait.ge [sflag:s10], $0x8000  }
0x6f: {  	[sflag:s10] =	ssyncset.done $0x0  }
0x70: {  	s21 =	rddreg [dreg:$0x7];
	[sflag:s10] =	ssyncadd.s32 $0xFFFF8000  }
0x71: {  	[hbm4b:s21+s2] =	stream.linear.scatter [tilespmem:s26], [sflag:$0x3], $0x8000, $0x38;
	[tilespmem:$0x10080] =	vst v63  }
0x72: {  	_ =	swait.ge [sflag:s9], $0x8000  }
0x73: {  	[sflag:s9] =	ssyncset.done $0x0  }
0x74: {  	[sflag:s9] =	ssyncadd.s32 $0xFFFF8000  }
0x75: {  	v3 =	vld [tilespmem:$0x40];
	_ =	sdelay $0x4  }
0x76: {  	v60 =	vshll.u32 v3, $0x3  }
0x77: {  	v3 =	vand.u32 $0x7, v3;
	v4 =	vand.u32 $0xFFFFFFC0, v60  }
0x78: {  	v3 =	vor.u32 v3, v4  }
0x79: {  	v4 =	vperm.xlane v3, v0;
	_ =	sdelay $0x1  }
0x7a: {  	v4 =	vadd.s32 v1, v4;
	_ =	sdelay $0x4  }
0x7b: {  	[tilespmem:s26], [sflag:$0x1] =	stream.indirect_vreg.gather [hbm4b:s3+s2], $0x80, v4, vm0, $0xb8;
	[tilespmem:$0x10080] =	vst v63  }
0x7c: {  	v3 =	vperm.xlane v3, v2  }
0x7d: {  	[tilespmem:s22], [sflag:$0x1] =	stream.indirect_vreg.gather [hbm4b:s5+s2], $0x80, v4, vm0, $0xb8;
	[tilespmem:$0x10080] =	vst v63  }
0x7e: {  	v3 =	vadd.s32 v1, v3  }
0x7f: {  	[tilespmem:s23], [sflag:$0x1] =	stream.indirect_vreg.gather [hbm4b:s6+s2], $0x80, v4, vm0, $0xb8;
	[tilespmem:$0x10080] =	vst v63  }
0x80: {  	_ = 	snop  }
0x81: {  	[tilespmem:s24], [sflag:$0x1] =	stream.indirect_vreg.gather [hbm4b:s7+s2], $0x80, v4, vm0, $0xb8;
	[tilespmem:$0x10080] =	vst v63  }
0x82: {  	_ = 	snop  }
0x83: {  	[tilespmem:s25], [sflag:$0x1] =	stream.indirect_vreg.gather [hbm4b:s3+s2], $0x80, v3, vm0, $0xb8;
	[tilespmem:$0x10080] =	vst v63  }
0x84: {  	_ = 	snop  }
0x85: {  	[tilespmem:s28], [sflag:$0x1] =	stream.indirect_vreg.gather [hbm4b:s5+s2], $0x80, v3, vm0, $0xb8;
	[tilespmem:$0x10080] =	vst v63  }
0x86: {  	_ = 	snop  }
0x87: {  	[tilespmem:s29], [sflag:$0x1] =	stream.indirect_vreg.gather [hbm4b:s6+s2], $0x80, v3, vm0, $0xb8;
	[tilespmem:$0x10080] =	vst v63  }
0x88: {  	_ = 	snop  }
0x89: {  	[tilespmem:s30], [sflag:$0x1] =	stream.indirect_vreg.gather [hbm4b:s7+s2], $0x80, v3, vm0, $0xb8;
	[tilespmem:$0x10080] =	vst v63  }
0x8a: {  	v3 =	vld [tilespmem:$0x50];
	_ =	sdelay $0x4  }
0x8b: {  	v61 =	vshll.u32 v3, $0x3  }
0x8c: {  	v3 =	vand.u32 $0x7, v3;
	v4 =	vand.u32 $0xFFFFFFC0, v61  }
0x8d: {  	v3 =	vor.u32 v3, v4  }
0x8e: {  	v4 =	vperm.xlane v3, v0;
	_ =	sdelay $0x1  }
0x8f: {  	v4 =	vadd.s32 v1, v4;
	_ =	sdelay $0x4  }
0x90: {  	[tilespmem:s31], [sflag:$0x1] =	stream.indirect_vreg.gather [hbm4b:s3+s2], $0x80, v4, vm0, $0xb8;
	[tilespmem:$0x10080] =	vst v63  }
0x91: {  	v3 =	vperm.xlane v3, v2  }
0x92: {  	[tilespmem:s0], [sflag:$0x1] =	stream.indirect_vreg.gather [hbm4b:s5+s2], $0x80, v4, vm0, $0xb8;
	[tilespmem:$0x10080] =	vst v63  }
0x93: {  	v3 =	vadd.s32 v1, v3  }
0x94: {  	[tilespmem:s1], [sflag:$0x1] =	stream.indirect_vreg.gather [hbm4b:s6+s2], $0x80, v4, vm0, $0xb8;
	[tilespmem:$0x10080] =	vst v63  }
0x95: {  	_ = 	snop  }
0x96: {  	[tilespmem:s11], [sflag:$0x1] =	stream.indirect_vreg.gather [hbm4b:s7+s2], $0x80, v4, vm0, $0xb8;
	[tilespmem:$0x10080] =	vst v63  }
0x97: {  	_ = 	snop  }
0x98: {  	[tilespmem:s12], [sflag:$0x1] =	stream.indirect_vreg.gather [hbm4b:s3+s2], $0x80, v3, vm0, $0xb8;
	[tilespmem:$0x10080] =	vst v63  }
0x99: {  	_ = 	snop  }
0x9a: {  	[tilespmem:s13], [sflag:$0x1] =	stream.indirect_vreg.gather [hbm4b:s5+s2], $0x80, v3, vm0, $0xb8;
	[tilespmem:$0x10080] =	vst v63  }
0x9b: {  	_ = 	snop  }
0x9c: {  	[tilespmem:s14], [sflag:$0x1] =	stream.indirect_vreg.gather [hbm4b:s6+s2], $0x80, v3, vm0, $0xb8;
	[tilespmem:$0x10080] =	vst v63  }
0x9d: {  	_ = 	snop  }
0x9e: {  	[tilespmem:s15], [sflag:$0x1] =	stream.indirect_vreg.gather [hbm4b:s7+s2], $0x80, v3, vm0, $0xb8;
	[tilespmem:$0x10080] =	vst v63  }
0x9f: {  	_ =	swait.ge [sflag:s20], $0x8000  }
0xa0: {  	[sflag:s20] =	ssyncset.done $0x0  }
0xa1: {  	s0 =	rddreg [dreg:$0x4];
	[sflag:s20] =	ssyncadd.s32 $0xFFFF8000  }
0xa2: {  	[hbm4b:s0+s2] =	stream.linear.scatter [tilespmem:s4], [sflag:$0x3], $0x8000, $0x38;
	[tilespmem:$0x10080] =	vst v63  }
0xa3: {  	_ =	swait.ge [sflag:s9], $0x8000  }
0xa4: {  	[sflag:s9] =	ssyncset.done $0x0  }
0xa5: {  	[sflag:s9] =	ssyncadd.s32 $0xFFFF8000  }
0xa6: {  	v3 =	vld [tilespmem:$0x60];
	_ =	sdelay $0x4  }
0xa7: {  	v62 =	vshll.u32 v3, $0x3  }
0xa8: {  	v3 =	vand.u32 $0x7, v3;
	v4 =	vand.u32 $0xFFFFFFC0, v62  }
0xa9: {  	v3 =	vor.u32 v3, v4  }
0xaa: {  	v4 =	vperm.xlane v3, v0;
	_ =	sdelay $0x1  }
0xab: {  	v4 =	vadd.s32 v1, v4;
	_ =	sdelay $0x4  }
0xac: {  	[tilespmem:s4], [sflag:$0x2] =	stream.indirect_vreg.gather [hbm4b:s3+s2], $0x80, v4, vm0, $0xb8;
	[tilespmem:$0x10080] =	vst v63  }
0xad: {  	v3 =	vperm.xlane v3, v2  }
0xae: {  	[tilespmem:s16], [sflag:$0x2] =	stream.indirect_vreg.gather [hbm4b:s5+s2], $0x80, v4, vm0, $0xb8;
	[tilespmem:$0x10080] =	vst v63  }
0xaf: {  	v3 =	vadd.s32 v1, v3  }
0xb0: {  	[tilespmem:s17], [sflag:$0x2] =	stream.indirect_vreg.gather [hbm4b:s6+s2], $0x80, v4, vm0, $0xb8;
	[tilespmem:$0x10080] =	vst v63  }
0xb1: {  	_ = 	snop  }
0xb2: {  	[tilespmem:s18], [sflag:$0x2] =	stream.indirect_vreg.gather [hbm4b:s7+s2], $0x80, v4, vm0, $0xb8;
	[tilespmem:$0x10080] =	vst v63  }
0xb3: {  	_ = 	snop  }
0xb4: {  	[tilespmem:s19], [sflag:$0x2] =	stream.indirect_vreg.gather [hbm4b:s3+s2], $0x80, v3, vm0, $0xb8;
	[tilespmem:$0x10080] =	vst v63  }
0xb5: {  	s21 =	simm.s32 $0xA880  }
0xb6: {  	[tilespmem:s21], [sflag:$0x2] =	stream.indirect_vreg.gather [hbm4b:s5+s2], $0x80, v3, vm0, $0xb8;
	[tilespmem:$0x10080] =	vst v63  }
0xb7: {  	s21 =	simm.s32 $0xB080  }
0xb8: {  	[tilespmem:s21], [sflag:$0x2] =	stream.indirect_vreg.gather [hbm4b:s6+s2], $0x80, v3, vm0, $0xb8;
	[tilespmem:$0x10080] =	vst v63  }
0xb9: {  	s21 =	simm.s32 $0xB880  }
0xba: {  	[tilespmem:s21], [sflag:$0x2] =	stream.indirect_vreg.gather [hbm4b:s7+s2], $0x80, v3, vm0, $0xb8;
	[tilespmem:$0x10080] =	vst v63  }
0xbb: {  	v3 =	vld [tilespmem:$0x70];
	_ =	sdelay $0x4  }
0xbc: {  	v63 =	vshll.u32 v3, $0x3  }
0xbd: {  	v3 =	vand.u32 $0x7, v3;
	v4 =	vand.u32 $0xFFFFFFC0, v63  }
0xbe: {  	v3 =	vor.u32 v3, v4  }
0xbf: {  	v4 =	vperm.xlane v3, v0;
	_ =	sdelay $0x1  }
0xc0: {  	v4 =	vadd.s32 v1, v4;
	_ =	sdelay $0x3  }
0xc1: {  	s21 =	simm.s32 $0xC080  }
0xc2: {  	[tilespmem:s21], [sflag:$0x2] =	stream.indirect_vreg.gather [hbm4b:s3+s2], $0x80, v4, vm0, $0xb8;
	[tilespmem:$0x10080] =	vst v63  }
0xc3: {  	v3 =	vperm.xlane v3, v2;
	s21 =	simm.s32 $0xC880  }
0xc4: {  	[tilespmem:s21], [sflag:$0x2] =	stream.indirect_vreg.gather [hbm4b:s5+s2], $0x80, v4, vm0, $0xb8;
	[tilespmem:$0x10080] =	vst v63  }
0xc5: {  	v3 =	vadd.s32 v1, v3;
	s21 =	simm.s32 $0xD080  }
0xc6: {  	[tilespmem:s21], [sflag:$0x2] =	stream.indirect_vreg.gather [hbm4b:s6+s2], $0x80, v4, vm0, $0xb8;
	[tilespmem:$0x10080] =	vst v63  }
0xc7: {  	s21 =	simm.s32 $0xD880  }
0xc8: {  	[tilespmem:s21], [sflag:$0x2] =	stream.indirect_vreg.gather [hbm4b:s7+s2], $0x80, v4, vm0, $0xb8;
	[tilespmem:$0x10080] =	vst v63  }
0xc9: {  	s21 =	simm.s32 $0xE080  }
0xca: {  	[tilespmem:s21], [sflag:$0x2] =	stream.indirect_vreg.gather [hbm4b:s3+s2], $0x80, v3, vm0, $0xb8;
	[tilespmem:$0x10080] =	vst v63  }
0xcb: {  	s21 =	simm.s32 $0xE880  }
0xcc: {  	[tilespmem:s21], [sflag:$0x2] =	stream.indirect_vreg.gather [hbm4b:s5+s2], $0x80, v3, vm0, $0xb8;
	[tilespmem:$0x10080] =	vst v63  }
0xcd: {  	s21 =	simm.s32 $0xF080  }
0xce: {  	[tilespmem:s21], [sflag:$0x2] =	stream.indirect_vreg.gather [hbm4b:s6+s2], $0x80, v3, vm0, $0xb8;
	[tilespmem:$0x10080] =	vst v63  }
0xcf: {  	s21 =	simm.s32 $0xF880  }
0xd0: {  	[tilespmem:s21], [sflag:$0x2] =	stream.indirect_vreg.gather [hbm4b:s7+s2], $0x80, v3, vm0, $0xb8;
	[tilespmem:$0x10080] =	vst v63  }
0xd1: {  	_ =	swait.ge [sflag:s10], $0x8000  }
0xd2: {  	[sflag:s10] =	ssyncset.done $0x0  }
0xd3: {  	s0 =	rddreg [dreg:$0x5];
	[sflag:s10] =	ssyncadd.s32 $0xFFFF8000  }
0xd4: {  	[hbm4b:s0+s2] =	stream.linear.scatter [tilespmem:s26], [sflag:$0x3], $0x8000, $0x38;
	[tilespmem:$0x10080] =	vst v63  }
0xd5: {  	_ =	swait.ge [sflag:s9], $0x8000  }
0xd6: {  	[sflag:s9] =	ssyncset.done $0x0  }
0xd7: {  	[sflag:s9] =	ssyncadd.s32 $0xFFFF8000  }
0xd8: {  	_ =	swait.ge [sflag:s20], $0x8000  }
0xd9: {  	p0 =	sne.s32 s8, $0x1;
	[sflag:s20] =	ssyncset.done $0x0  }
.Ltmp0:
0xda: {  	s0 =	rddreg [dreg:$0x6];
	[sflag:s20] =	ssyncadd.s32 $0xFFFF8000;
	(pc) =	sbr.rel @p0 .LBB2_1-.Ltmp0, $4  }
0xdb: {  	[hbm4b:s0+s2] =	stream.linear.scatter [tilespmem:s4], [sflag:$0x3], $0x8000, $0x38;
	[tilespmem:$0x10080] =	vst v63  }
0xdc: {  	_ =	swait.ge [sflag:s9], $0x8000  }
0xdd: {  	[sflag:s9] =	ssyncset.done $0x0  }
0xde: {  	s8 =	sadd.s32 $0xFFFFFFFF, s8;
	[sflag:s9] =	ssyncadd.s32 $0xFFFF8000  }
0xdf: {  	_ =	sfence.sel $0x180000  }
0xe0: {  	[bflag:$0x0] =	sbarrier.arrive $0xFFFF  }
0xe1: {  	_ =	strace $0x9000004A  }
0xe2: {  	s0 =	stileid.u32;
	[bflag:$0x2] =	sbarrier.arrive $0xFFFF  }
0xe3: {  	p0 =	sne.s32 s0, $0x0;
	s0 =	rddreg [dreg:$0x2]  }
0xe4: {  	s0 =	sadd.s32 @!p0 $0x100000, s0  }
0xe5: {  	[sflag:s0] =	ssyncadd.tile.s32 @!p0 $0x1;
	_ =	shalt  }
.Lfunc_end2:
_tile_overlayer_lowered:
.L_overlay_start_2:
0xe6: {  	(tag) =	ssettag $0x2  }
0xe7: {  	s0 =	rddreg [dreg:$0x0];
	s2 =	stileid.u32  }
0xe8: {  	s1 =	rddreg [dreg:$0x1];
	p0 =	sne.s32 s2, $0x0  }
0xe9: {  	s3 =	rddreg [dreg:$0x2];
	[bflag:$0x3] =	sbarrier.arrive $0xFFFF;
	s2 =	simm.s32 @!p0 $0x1C03  }
0xea: {  	[timem:s3], [sflag:s2] =	dma.local @!p0 [hbm:s0], s1  }
0xeb: {  	s0 =	simm.s32 @!p0 $0x3  }
0xec: {  	_ =	swait.ge @!p0 [sflag:s0], s1  }
0xed: {  	s1 =	ssub.s32 @!p0 $0x0, s1;
	[sflag:s0] =	ssyncset.done @!p0 $0x0  }
0xee: {  	[sflag:s0] =	ssyncadd.s32 @!p0 s1  }
0xef: {  	[bflag:$0x3] =	sbarrier.arrive $0xFFFF  }
0xf0: {  	_ =	shalt  }

</sc_bundles>
